<compile_context>
chip_gen: v7x
topology: tpu7x:2x2x1
jax: 0.10.2.dev20260603
libtpu: 0.0.44.dev20260713+nightly
codegen_flags: <defaults>
</compile_context>

<pallas_src>
import functools

import jax
import jax.numpy as jnp
from jax import lax
from jax.experimental import pallas as pl
from jax.experimental.pallas import tpu as pltpu
from jax.experimental.pallas import tpu_sc as plsc

N = 10000
E = 320000
D = 128

NC = 2
NS = 16
NW = NC * NS
CH = 80
EPW = E // NW
NCHUNK = EPW // CH
NP = 10112
RPT = NP // NS

_mesh = plsc.VectorSubcoreMesh(core_axis_name="c", subcore_axis_name="s")


@functools.partial(
    pl.kernel,
    mesh=_mesh,
    out_type=jax.ShapeDtypeStruct((NC, NP, D), jnp.float32),
    scratch_types=(
        pltpu.VMEM((EPW,), jnp.int32),
        pltpu.VMEM((NCHUNK, CH), jnp.int32),
        pltpu.VMEM((CH, D), jnp.float32),
        pltpu.VMEM((CH, D), jnp.float32),
        pltpu.VMEM_SHARED((NP, D), jnp.float32),
        pltpu.SemaphoreType.DMA,
        pltpu.SemaphoreType.DMA,
        pltpu.SemaphoreType.DMA,
        pltpu.SemaphoreType.DMA,
    ),
)
def _sc_agg(x_hbm, col_hbm, row_hbm, z128_hbm,
            agg_hbm,
            colv, rowv, rows_a, rows_b, agg_sh,
            gsem_a, gsem_b, ssem_a, ssem_b):
    cid = lax.axis_index("c")
    sid = lax.axis_index("s")
    wid = sid * NC + cid
    pltpu.sync_copy(z128_hbm, agg_sh.at[pl.ds(sid * RPT, RPT)])
    pltpu.sync_copy(col_hbm.at[wid, 0], colv)
    pltpu.sync_copy(row_hbm.at[wid], rowv)
    plsc.subcore_barrier()

    def cidx(k):
        return colv.at[pl.ds(pl.multiple_of(k * CH, CH), CH)]

    def gwait(buf, sem):
        pltpu.make_async_copy(x_hbm.at[cidx(0)], buf, sem).wait()

    def sstart(buf, k, sem):
        pltpu.async_copy(buf, agg_sh.at[rowv.at[k]], sem, add=True)

    def swait(buf, sem):
        pltpu.make_async_copy(buf, agg_sh.at[rowv.at[0]], sem).wait()

    pltpu.async_copy(x_hbm.at[cidx(0)], rows_a, gsem_a)
    pltpu.async_copy(x_hbm.at[cidx(1)], rows_b, gsem_b)

    def pair(j, c):
        k = 2 * j
        gwait(rows_a, gsem_a)
        sstart(rows_a, k, ssem_a)
        gwait(rows_b, gsem_b)
        sstart(rows_b, k + 1, ssem_b)
        swait(rows_a, ssem_a)
        pltpu.async_copy(x_hbm.at[cidx(k + 2)], rows_a, gsem_a)
        swait(rows_b, ssem_b)
        pltpu.async_copy(x_hbm.at[cidx(k + 3)], rows_b, gsem_b)
        return c

    lax.fori_loop(0, (NCHUNK - 3) // 2, pair, 0)
    gwait(rows_a, gsem_a)
    sstart(rows_a, NCHUNK - 3, ssem_a)
    gwait(rows_b, gsem_b)
    sstart(rows_b, NCHUNK - 2, ssem_b)
    swait(rows_a, ssem_a)
    pltpu.async_copy(x_hbm.at[cidx(NCHUNK - 1)], rows_a, gsem_a)
    gwait(rows_a, gsem_a)
    sstart(rows_a, NCHUNK - 1, ssem_a)
    swait(rows_b, ssem_b)
    swait(rows_a, ssem_a)

    plsc.subcore_barrier()
    sl = pl.ds(sid * RPT, RPT)
    pltpu.sync_copy(agg_sh.at[sl], agg_hbm.at[cid].at[sl])


@functools.partial(
    pl.kernel,
    mesh=_mesh,
    out_type=jax.ShapeDtypeStruct((NC, NP, D), jnp.float32),
    scratch_types=(
        pltpu.VMEM((NCHUNK, CH), jnp.int32),
        pltpu.VMEM((CH, D), jnp.float32),
        pltpu.VMEM_SHARED((NP, D), jnp.float32),
        pltpu.SemaphoreType.DMA,
    ),
)
def _sc_deg(ones_hbm, row_hbm, z128_hbm,
            deg_hbm,
            rowv, onesv, deg_sh, ssem):
    cid = lax.axis_index("c")
    sid = lax.axis_index("s")
    wid = sid * NC + cid
    pltpu.sync_copy(z128_hbm, deg_sh.at[pl.ds(sid * RPT, RPT)])
    pltpu.sync_copy(ones_hbm, onesv)
    pltpu.sync_copy(row_hbm.at[wid], rowv)
    plsc.subcore_barrier()

    def dwait():
        pltpu.make_async_copy(onesv, deg_sh.at[rowv.at[0]], ssem).wait()

    pltpu.async_copy(onesv, deg_sh.at[rowv.at[0]], ssem, add=True)
    pltpu.async_copy(onesv, deg_sh.at[rowv.at[1]], ssem, add=True)

    def body(k, c):
        pltpu.async_copy(onesv, deg_sh.at[rowv.at[k]], ssem, add=True)
        dwait()
        return c

    lax.fori_loop(2, NCHUNK, body, 0)
    dwait()
    dwait()

    plsc.subcore_barrier()
    sl = pl.ds(sid * RPT, RPT)
    pltpu.sync_copy(deg_sh.at[sl], deg_hbm.at[cid].at[sl])


BLK = 2000


def _tc_body(agg_ref, deg_ref, x_ref, w_ref, out_ref):
    a = agg_ref[0] + agg_ref[1]
    d = deg_ref[0, :, 0:1] + deg_ref[1, :, 0:1]
    scale = 1.0 / jnp.maximum(d, 1.0)
    y = lax.dot_general(a, w_ref[...], (((1,), (1,)), ((), ())),
                        preferred_element_type=jnp.float32)
    out_ref[...] = y * scale + x_ref[...]


def _tc_body_final(agg_ref, deg_ref, x_ref, w_ref, res_ref, out_ref):
    a = agg_ref[0] + agg_ref[1]
    d = deg_ref[0, :, 0:1] + deg_ref[1, :, 0:1]
    scale = 1.0 / jnp.maximum(d, 1.0)
    y = lax.dot_general(a, w_ref[...], (((1,), (1,)), ((), ())),
                        preferred_element_type=jnp.float32)
    out_ref[...] = y * scale + x_ref[...] + res_ref[...]


_AGG_SPEC = pl.BlockSpec((NC, BLK, D), lambda i: (0, i, 0))
_X_SPEC = pl.BlockSpec((BLK, D), lambda i: (i, 0))
_W_SPEC = pl.BlockSpec((D, D), lambda i: (0, 0))


def _tc_layer(agg, deg, x, w):
    return pl.pallas_call(
        _tc_body,
        grid=(N // BLK,),
        in_specs=[_AGG_SPEC, _AGG_SPEC, _X_SPEC, _W_SPEC],
        out_specs=_X_SPEC,
        out_shape=jax.ShapeDtypeStruct((N, D), jnp.float32),
    )(agg, deg, x, w)


def _tc_layer_final(agg, deg, x, w, res):
    return pl.pallas_call(
        _tc_body_final,
        grid=(N // BLK,),
        in_specs=[_AGG_SPEC, _AGG_SPEC, _X_SPEC, _W_SPEC, _X_SPEC],
        out_specs=_X_SPEC,
        out_shape=jax.ShapeDtypeStruct((N, D), jnp.float32),
    )(agg, deg, x, w, res)


def kernel(x, edge_index, ring_polarities, W0, W1, W2):
    del ring_polarities
    row2 = edge_index[0].reshape(NW, NCHUNK, CH)
    col2 = edge_index[1].reshape(NW, 1, EPW)
    z128 = jnp.zeros((RPT, D), jnp.float32)
    ones128 = jnp.ones((CH, D), jnp.float32)

    deg = _sc_deg(ones128, row2, z128)
    agg0 = _sc_agg(x, col2, row2, z128)
    x1 = _tc_layer(agg0, deg, x, W0)
    agg1 = _sc_agg(x1, col2, row2, z128)
    x2 = _tc_layer(agg1, deg, x1, W1)
    agg2 = _sc_agg(x2, col2, row2, z128)
    return _tc_layer_final(agg2, deg, x2, W2, x)

# --- scband reference (transcript-rebuilt; emitter-appended) ---
"""Pipeline reference for scband-ring-cone-chain-23691039605492 (READ-ONLY COPY).

The authoritative reference and input builder live on the scoring server;
editing this copy changes nothing except your own understanding.
"""

import jax, jax.numpy as jnp
import numpy as np

N = 10000
E = 320000
D = 128
NUM_LAYERS = 3


def setup_inputs(seed: int = 0) -> dict:
    key = jax.random.key(seed)
    ks = jax.random.split(key, 6)
    x = jax.random.normal(ks[0], (N, D), dtype=jnp.float32)
    edge_index = jax.random.randint(ks[1], (2, E), 0, N, dtype=jnp.int32)
    ring_polarities = jax.random.randint(ks[2], (N,), 0, 9, dtype=jnp.int32)
    # restriction weights for each MinimalCopresheafTNN layer (nn.Linear, bias=False)
    scale = 1.0 / np.sqrt(D)
    W0 = jax.random.normal(ks[3], (D, D), dtype=jnp.float32) * scale
    W1 = jax.random.normal(ks[4], (D, D), dtype=jnp.float32) * scale
    W2 = jax.random.normal(ks[5], (D, D), dtype=jnp.float32) * scale
    return {"x": x, "edge_index": edge_index, "ring_polarities": ring_polarities,
            "W0": W0, "W1": W1, "W2": W2}


def reference(x, edge_index, ring_polarities, W0, W1, W2):
    # CopresheafDiffusionStack.forward with sheaf_mode=True (classic symmetric
    # sheaf ablation): per layer, gather x[col], apply restriction linear,
    # scatter-add into row, mean-normalize by in-degree, residual add.
    row = edge_index[0]
    col = edge_index[1]
    residual = x
    n = x.shape[0]
    ones = jnp.ones((E,), dtype=jnp.float32)
    for W in (W0, W1, W2):
        messages = x[col] @ W.T  # restriction (Linear, bias=False)
        out = jnp.zeros_like(x).at[row].add(messages)
        deg = jnp.zeros((n,), dtype=jnp.float32).at[row].add(ones)
        out = out / jnp.clip(deg, 1.0, None)[:, None]
        x = out + x
    # res_proj is None since in_channels == out_channels; final residual add
    x = x + residual
    return x

if __name__ == "__main__":
    import jax
    _d = setup_inputs()
    print(jax.jit(kernel)(*tuple(_d.values())))

</pallas_src>

<mosaic_0001>
#map = affine_map<(d0, d1) -> (0, 0)>
#map1 = affine_map<(d0, d1) -> (0, 0, 0)>
module attributes {stable_mosaic.version = 14 : i64} {
  func.func @_sc_deg(%arg0: i32, %arg1: i32, %arg2: memref<80x128xf32, #tpu.memory_space<hbm>>, %arg3: memref<32x125x80xi32, #tpu.memory_space<hbm>>, %arg4: memref<632x128xf32, #tpu.memory_space<hbm>>, %arg5: memref<2x10112x128xf32, #tpu.memory_space<hbm>>, %arg6: memref<125x80xi32, #tpu.memory_space<vmem>>, %arg7: memref<80x128xf32, #tpu.memory_space<vmem>>, %arg8: memref<10112x128xf32, #tpu.memory_space<vmem_shared>>, %arg9: memref<!tpu.dma_semaphore, #tpu.memory_space<semaphore_mem>>) attributes {dimension_semantics = [#tpu.dimension_semantics<core_parallel>, #tpu.dimension_semantics<subcore_parallel>], iteration_bounds = array<i64: 2, 16>, scalar_prefetch = 0 : i64, scratch_operands = 4 : i64, tpu.core_type = #tpu.core_type<sc_vector_subcore>, window_params = [{transform_indices = #map}, {transform_indices = #map1}, {transform_indices = #map}, {transform_indices = #map1}]} {
    %mul3A = arith.constant 2 : i32
    %mul3A_0 = arith.muli %arg1, %mul3A : i32
    %add3A = arith.addi %mul3A_0, %arg0 : i32
    %mul3A_1 = arith.constant 632 : i32
    %mul3A_2 = arith.muli %arg1, %mul3A_1 : i32
    "tpu.region"() ({
      %run_scoped3A = tpu.sem_alloc : memref<!tpu.dma_semaphore, #tpu.memory_space<semaphore_mem>>
      %dma_start3A_37 = arith.constant 0 : i32
      %dma_start3A_38 = tpu.memref_slice %arg8[%mul3A_2, %dma_start3A_37] : memref<10112x128xf32, #tpu.memory_space<vmem_shared>> -> memref<632x128xf32, #tpu.memory_space<vmem_shared>>
      tpu.enqueue_dma source(%arg4 : memref<632x128xf32, #tpu.memory_space<hbm>>) target(%dma_start3A_38 : memref<632x128xf32, #tpu.memory_space<vmem_shared>>) target_semaphore(%run_scoped3A : memref<!tpu.dma_semaphore, #tpu.memory_space<semaphore_mem>>)
      %dma_wait3A_39 = arith.constant 0 : i32
      %dma_wait3A_40 = tpu.memref_slice %arg8[%mul3A_2, %dma_wait3A_39] : memref<10112x128xf32, #tpu.memory_space<vmem_shared>> -> memref<632x128xf32, #tpu.memory_space<vmem_shared>>
      tpu.wait_dma2 semaphore(%run_scoped3A : memref<!tpu.dma_semaphore, #tpu.memory_space<semaphore_mem>>) src(%arg4 : memref<632x128xf32, #tpu.memory_space<hbm>>) dst(%dma_wait3A_40 : memref<632x128xf32, #tpu.memory_space<vmem_shared>>)
      tpu.yield
    }) : () -> ()
    "tpu.region"() ({
      %run_scoped3A = tpu.sem_alloc : memref<!tpu.dma_semaphore, #tpu.memory_space<semaphore_mem>>
      tpu.enqueue_dma source(%arg2 : memref<80x128xf32, #tpu.memory_space<hbm>>) target(%arg7 : memref<80x128xf32, #tpu.memory_space<vmem>>) target_semaphore(%run_scoped3A : memref<!tpu.dma_semaphore, #tpu.memory_space<semaphore_mem>>)
      tpu.wait_dma2 semaphore(%run_scoped3A : memref<!tpu.dma_semaphore, #tpu.memory_space<semaphore_mem>>) src(%arg2 : memref<80x128xf32, #tpu.memory_space<hbm>>) dst(%arg7 : memref<80x128xf32, #tpu.memory_space<vmem>>)
      tpu.yield
    }) : () -> ()
    "tpu.region"() ({
      %run_scoped3A = tpu.sem_alloc : memref<!tpu.dma_semaphore, #tpu.memory_space<semaphore_mem>>
      %dma_start3A_37 = arith.constant 0 : i32
      %dma_start3A_38 = arith.constant 0 : i32
      %dma_start3A_39 = tpu.memref_slice %arg3[%add3A, %dma_start3A_37, %dma_start3A_38] : memref<32x125x80xi32, #tpu.memory_space<hbm>> -> memref<1x125x80xi32, #tpu.memory_space<hbm>>
      %dma_start3A_40 = tpu.memref_squeeze %dma_start3A_39 : memref<1x125x80xi32, #tpu.memory_space<hbm>> -> memref<125x80xi32, #tpu.memory_space<hbm>>
      %dma_start3A_41 = arith.constant 0 : i32
      %dma_start3A_42 = arith.constant 0 : i32
      %dma_start3A_43 = tpu.memref_slice %arg3[%add3A, %dma_start3A_41, %dma_start3A_42] : memref<32x125x80xi32, #tpu.memory_space<hbm>> -> memref<1x125x80xi32, #tpu.memory_space<hbm>>
      %dma_start3A_44 = tpu.memref_squeeze %dma_start3A_43 : memref<1x125x80xi32, #tpu.memory_space<hbm>> -> memref<125x80xi32, #tpu.memory_space<hbm>>
      tpu.enqueue_dma source(%dma_start3A_44 : memref<125x80xi32, #tpu.memory_space<hbm>>) target(%arg6 : memref<125x80xi32, #tpu.memory_space<vmem>>) target_semaphore(%run_scoped3A : memref<!tpu.dma_semaphore, #tpu.memory_space<semaphore_mem>>)
      %dma_wait3A_45 = arith.constant 0 : i32
      %dma_wait3A_46 = arith.constant 0 : i32
      %dma_wait3A_47 = tpu.memref_slice %arg3[%add3A, %dma_wait3A_45, %dma_wait3A_46] : memref<32x125x80xi32, #tpu.memory_space<hbm>> -> memref<1x125x80xi32, #tpu.memory_space<hbm>>
      %dma_wait3A_48 = tpu.memref_squeeze %dma_wait3A_47 : memref<1x125x80xi32, #tpu.memory_space<hbm>> -> memref<125x80xi32, #tpu.memory_space<hbm>>
      %dma_wait3A_49 = arith.constant 0 : i32
      %dma_wait3A_50 = arith.constant 0 : i32
      %dma_wait3A_51 = tpu.memref_slice %arg3[%add3A, %dma_wait3A_49, %dma_wait3A_50] : memref<32x125x80xi32, #tpu.memory_space<hbm>> -> memref<1x125x80xi32, #tpu.memory_space<hbm>>
      %dma_wait3A_52 = tpu.memref_squeeze %dma_wait3A_51 : memref<1x125x80xi32, #tpu.memory_space<hbm>> -> memref<125x80xi32, #tpu.memory_space<hbm>>
      tpu.wait_dma2 semaphore(%run_scoped3A : memref<!tpu.dma_semaphore, #tpu.memory_space<semaphore_mem>>) src(%dma_wait3A_52 : memref<125x80xi32, #tpu.memory_space<hbm>>) dst(%arg6 : memref<125x80xi32, #tpu.memory_space<vmem>>)
      tpu.yield
    }) : () -> ()
    %barrier3A = arith.constant 0 : index
    tpu.barrier barrier_id(%barrier3A)
    %dma_start3A = arith.constant 0 : i32
    %dma_start3A_3 = arith.constant 0 : i32
    %dma_start3A_4 = tpu.memref_slice %arg6[%dma_start3A, %dma_start3A_3] : memref<125x80xi32, #tpu.memory_space<vmem>> -> memref<1x80xi32, #tpu.memory_space<vmem>>
    %dma_start3A_5 = tpu.memref_squeeze %dma_start3A_4 : memref<1x80xi32, #tpu.memory_space<vmem>> -> memref<80xi32, #tpu.memory_space<vmem>>
    %dma_start3A_6 = arith.constant 0 : i32
    %dma_start3A_7 = arith.constant 0 : i32
    %dma_start3A_8 = tpu.memref_slice %arg8[%dma_start3A_6, %dma_start3A_7] : memref<10112x128xf32, #tpu.memory_space<vmem_shared>> -> memref<10112x128xf32, #tpu.memory_space<vmem_shared>>
    tpu.enqueue_indirect_dma source(%arg7 : memref<80x128xf32, #tpu.memory_space<vmem>>) target(%dma_start3A_8 : memref<10112x128xf32, #tpu.memory_space<vmem_shared>>) offsets(%dma_start3A_5 : memref<80xi32, #tpu.memory_space<vmem>>) semaphore(%arg9 : memref<!tpu.dma_semaphore, #tpu.memory_space<semaphore_mem>>) {add = true}
    %dma_start3A_9 = arith.constant 1 : i32
    %dma_start3A_10 = arith.constant 0 : i32
    %dma_start3A_11 = tpu.memref_slice %arg6[%dma_start3A_9, %dma_start3A_10] : memref<125x80xi32, #tpu.memory_space<vmem>> -> memref<1x80xi32, #tpu.memory_space<vmem>>
    %dma_start3A_12 = tpu.memref_squeeze %dma_start3A_11 : memref<1x80xi32, #tpu.memory_space<vmem>> -> memref<80xi32, #tpu.memory_space<vmem>>
    %dma_start3A_13 = arith.constant 0 : i32
    %dma_start3A_14 = arith.constant 0 : i32
    %dma_start3A_15 = tpu.memref_slice %arg8[%dma_start3A_13, %dma_start3A_14] : memref<10112x128xf32, #tpu.memory_space<vmem_shared>> -> memref<10112x128xf32, #tpu.memory_space<vmem_shared>>
    tpu.enqueue_indirect_dma source(%arg7 : memref<80x128xf32, #tpu.memory_space<vmem>>) target(%dma_start3A_15 : memref<10112x128xf32, #tpu.memory_space<vmem_shared>>) offsets(%dma_start3A_12 : memref<80xi32, #tpu.memory_space<vmem>>) semaphore(%arg9 : memref<!tpu.dma_semaphore, #tpu.memory_space<semaphore_mem>>) {add = true}
    %scan3A = arith.constant 0 : i32
    %scan3A_16 = arith.constant 2 : i32
    %scan3A_17 = arith.constant 123 : i32
    %scan3A_18 = arith.addi %scan3A_16, %scan3A_17 : i32
    %scan3A_19 = arith.constant 1 : i32
    scf.for %scan3A_37 = %scan3A_16 to %scan3A_18 step %scan3A_19  : i32 {
      %dma_start3A_38 = arith.constant 0 : i32
      %dma_start3A_39 = tpu.memref_slice %arg6[%scan3A_37, %dma_start3A_38] : memref<125x80xi32, #tpu.memory_space<vmem>> -> memref<1x80xi32, #tpu.memory_space<vmem>>
      %dma_start3A_40 = tpu.memref_squeeze %dma_start3A_39 : memref<1x80xi32, #tpu.memory_space<vmem>> -> memref<80xi32, #tpu.memory_space<vmem>>
      %dma_start3A_41 = arith.constant 0 : i32
      %dma_start3A_42 = arith.constant 0 : i32
      %dma_start3A_43 = tpu.memref_slice %arg8[%dma_start3A_41, %dma_start3A_42] : memref<10112x128xf32, #tpu.memory_space<vmem_shared>> -> memref<10112x128xf32, #tpu.memory_space<vmem_shared>>
      tpu.enqueue_indirect_dma source(%arg7 : memref<80x128xf32, #tpu.memory_space<vmem>>) target(%dma_start3A_43 : memref<10112x128xf32, #tpu.memory_space<vmem_shared>>) offsets(%dma_start3A_40 : memref<80xi32, #tpu.memory_space<vmem>>) semaphore(%arg9 : memref<!tpu.dma_semaphore, #tpu.memory_space<semaphore_mem>>) {add = true}
      %dma_wait3A_44 = arith.constant 0 : i32
      %dma_wait3A_45 = arith.constant 0 : i32
      %dma_wait3A_46 = tpu.memref_slice %arg6[%dma_wait3A_44, %dma_wait3A_45] : memref<125x80xi32, #tpu.memory_space<vmem>> -> memref<1x80xi32, #tpu.memory_space<vmem>>
      %dma_wait3A_47 = tpu.memref_squeeze %dma_wait3A_46 : memref<1x80xi32, #tpu.memory_space<vmem>> -> memref<80xi32, #tpu.memory_space<vmem>>
      %dma_wait3A_48 = arith.constant 0 : i32
      %dma_wait3A_49 = arith.constant 0 : i32
      %dma_wait3A_50 = tpu.memref_slice %arg8[%dma_wait3A_48, %dma_wait3A_49] : memref<10112x128xf32, #tpu.memory_space<vmem_shared>> -> memref<10112x128xf32, #tpu.memory_space<vmem_shared>>
      tpu.wait_indirect_dma semaphore(%arg9 : memref<!tpu.dma_semaphore, #tpu.memory_space<semaphore_mem>>) src(%arg7 : memref<80x128xf32, #tpu.memory_space<vmem>>) dst(%dma_wait3A_50 : memref<10112x128xf32, #tpu.memory_space<vmem_shared>>)
    }
    %scan3A_20 = arith.constant 123 : i32
    %dma_wait3A = arith.constant 0 : i32
    %dma_wait3A_21 = arith.constant 0 : i32
    %dma_wait3A_22 = tpu.memref_slice %arg6[%dma_wait3A, %dma_wait3A_21] : memref<125x80xi32, #tpu.memory_space<vmem>> -> memref<1x80xi32, #tpu.memory_space<vmem>>
    %dma_wait3A_23 = tpu.memref_squeeze %dma_wait3A_22 : memref<1x80xi32, #tpu.memory_space<vmem>> -> memref<80xi32, #tpu.memory_space<vmem>>
    %dma_wait3A_24 = arith.constant 0 : i32
    %dma_wait3A_25 = arith.constant 0 : i32
    %dma_wait3A_26 = tpu.memref_slice %arg8[%dma_wait3A_24, %dma_wait3A_25] : memref<10112x128xf32, #tpu.memory_space<vmem_shared>> -> memref<10112x128xf32, #tpu.memory_space<vmem_shared>>
    tpu.wait_indirect_dma semaphore(%arg9 : memref<!tpu.dma_semaphore, #tpu.memory_space<semaphore_mem>>) src(%arg7 : memref<80x128xf32, #tpu.memory_space<vmem>>) dst(%dma_wait3A_26 : memref<10112x128xf32, #tpu.memory_space<vmem_shared>>)
    %dma_wait3A_27 = arith.constant 0 : i32
    %dma_wait3A_28 = arith.constant 0 : i32
    %dma_wait3A_29 = tpu.memref_slice %arg6[%dma_wait3A_27, %dma_wait3A_28] : memref<125x80xi32, #tpu.memory_space<vmem>> -> memref<1x80xi32, #tpu.memory_space<vmem>>
    %dma_wait3A_30 = tpu.memref_squeeze %dma_wait3A_29 : memref<1x80xi32, #tpu.memory_space<vmem>> -> memref<80xi32, #tpu.memory_space<vmem>>
    %dma_wait3A_31 = arith.constant 0 : i32
    %dma_wait3A_32 = arith.constant 0 : i32
    %dma_wait3A_33 = tpu.memref_slice %arg8[%dma_wait3A_31, %dma_wait3A_32] : memref<10112x128xf32, #tpu.memory_space<vmem_shared>> -> memref<10112x128xf32, #tpu.memory_space<vmem_shared>>
    tpu.wait_indirect_dma semaphore(%arg9 : memref<!tpu.dma_semaphore, #tpu.memory_space<semaphore_mem>>) src(%arg7 : memref<80x128xf32, #tpu.memory_space<vmem>>) dst(%dma_wait3A_33 : memref<10112x128xf32, #tpu.memory_space<vmem_shared>>)
    %barrier3A_34 = arith.constant 0 : index
    tpu.barrier barrier_id(%barrier3A_34)
    %mul3A_35 = arith.constant 632 : i32
    %mul3A_36 = arith.muli %arg1, %mul3A_35 : i32
    "tpu.region"() ({
      %run_scoped3A = tpu.sem_alloc : memref<!tpu.dma_semaphore, #tpu.memory_space<semaphore_mem>>
      %dma_start3A_37 = arith.constant 0 : i32
      %dma_start3A_38 = arith.constant 0 : i32
      %dma_start3A_39 = tpu.memref_slice %arg5[%arg0, %dma_start3A_37, %dma_start3A_38] : memref<2x10112x128xf32, #tpu.memory_space<hbm>> -> memref<1x10112x128xf32, #tpu.memory_space<hbm>>
      %dma_start3A_40 = tpu.memref_squeeze %dma_start3A_39 : memref<1x10112x128xf32, #tpu.memory_space<hbm>> -> memref<10112x128xf32, #tpu.memory_space<hbm>>
      %dma_start3A_41 = arith.constant 0 : i32
      %dma_start3A_42 = tpu.memref_slice %dma_start3A_40[%mul3A_36, %dma_start3A_41] : memref<10112x128xf32, #tpu.memory_space<hbm>> -> memref<632x128xf32, #tpu.memory_space<hbm>>
      %dma_start3A_43 = arith.constant 0 : i32
      %dma_start3A_44 = tpu.memref_slice %arg8[%mul3A_36, %dma_start3A_43] : memref<10112x128xf32, #tpu.memory_space<vmem_shared>> -> memref<632x128xf32, #tpu.memory_space<vmem_shared>>
      tpu.enqueue_dma source(%dma_start3A_44 : memref<632x128xf32, #tpu.memory_space<vmem_shared>>) target(%dma_start3A_42 : memref<632x128xf32, #tpu.memory_space<hbm>>) target_semaphore(%run_scoped3A : memref<!tpu.dma_semaphore, #tpu.memory_space<semaphore_mem>>)
      %dma_wait3A_45 = arith.constant 0 : i32
      %dma_wait3A_46 = arith.constant 0 : i32
      %dma_wait3A_47 = tpu.memref_slice %arg5[%arg0, %dma_wait3A_45, %dma_wait3A_46] : memref<2x10112x128xf32, #tpu.memory_space<hbm>> -> memref<1x10112x128xf32, #tpu.memory_space<hbm>>
      %dma_wait3A_48 = tpu.memref_squeeze %dma_wait3A_47 : memref<1x10112x128xf32, #tpu.memory_space<hbm>> -> memref<10112x128xf32, #tpu.memory_space<hbm>>
      %dma_wait3A_49 = arith.constant 0 : i32
      %dma_wait3A_50 = tpu.memref_slice %dma_wait3A_48[%mul3A_36, %dma_wait3A_49] : memref<10112x128xf32, #tpu.memory_space<hbm>> -> memref<632x128xf32, #tpu.memory_space<hbm>>
      %dma_wait3A_51 = arith.constant 0 : i32
      %dma_wait3A_52 = tpu.memref_slice %arg8[%mul3A_36, %dma_wait3A_51] : memref<10112x128xf32, #tpu.memory_space<vmem_shared>> -> memref<632x128xf32, #tpu.memory_space<vmem_shared>>
      tpu.wait_dma2 semaphore(%run_scoped3A : memref<!tpu.dma_semaphore, #tpu.memory_space<semaphore_mem>>) src(%dma_wait3A_52 : memref<632x128xf32, #tpu.memory_space<vmem_shared>>) dst(%dma_wait3A_50 : memref<632x128xf32, #tpu.memory_space<hbm>>)
      tpu.yield
    }) : () -> ()
    return
  }
}

#map = affine_map<(d0, d1) -> (0, 0)>
#map1 = affine_map<(d0, d1) -> (0, 0, 0)>
module attributes {stable_mosaic.version = 14 : i64} {
  func.func @_sc_agg(%arg0: i32, %arg1: i32, %arg2: memref<10000x128xf32, #tpu.memory_space<hbm>>, %arg3: memref<32x1x10000xi32, #tpu.memory_space<hbm>>, %arg4: memref<32x125x80xi32, #tpu.memory_space<hbm>>, %arg5: memref<632x128xf32, #tpu.memory_space<hbm>>, %arg6: memref<2x10112x128xf32, #tpu.memory_space<hbm>>, %arg7: memref<10000xi32, #tpu.memory_space<vmem>>, %arg8: memref<125x80xi32, #tpu.memory_space<vmem>>, %arg9: memref<80x128xf32, #tpu.memory_space<vmem>>, %arg10: memref<80x128xf32, #tpu.memory_space<vmem>>, %arg11: memref<10112x128xf32, #tpu.memory_space<vmem_shared>>, %arg12: memref<!tpu.dma_semaphore, #tpu.memory_space<semaphore_mem>>, %arg13: memref<!tpu.dma_semaphore, #tpu.memory_space<semaphore_mem>>, %arg14: memref<!tpu.dma_semaphore, #tpu.memory_space<semaphore_mem>>, %arg15: memref<!tpu.dma_semaphore, #tpu.memory_space<semaphore_mem>>) attributes {dimension_semantics = [#tpu.dimension_semantics<core_parallel>, #tpu.dimension_semantics<subcore_parallel>], iteration_bounds = array<i64: 2, 16>, scalar_prefetch = 0 : i64, scratch_operands = 9 : i64, tpu.core_type = #tpu.core_type<sc_vector_subcore>, window_params = [{transform_indices = #map}, {transform_indices = #map1}, {transform_indices = #map1}, {transform_indices = #map}, {transform_indices = #map1}]} {
    %mul3A = arith.constant 2 : i32
    %mul3A_0 = arith.muli %arg1, %mul3A : i32
    %add3A = arith.addi %mul3A_0, %arg0 : i32
    %mul3A_1 = arith.constant 632 : i32
    %mul3A_2 = arith.muli %arg1, %mul3A_1 : i32
    "tpu.region"() ({
      %run_scoped3A_86 = tpu.sem_alloc : memref<!tpu.dma_semaphore, #tpu.memory_space<semaphore_mem>>
      %dma_start3A_87 = arith.constant 0 : i32
      %dma_start3A_88 = tpu.memref_slice %arg11[%mul3A_2, %dma_start3A_87] : memref<10112x128xf32, #tpu.memory_space<vmem_shared>> -> memref<632x128xf32, #tpu.memory_space<vmem_shared>>
      tpu.enqueue_dma source(%arg5 : memref<632x128xf32, #tpu.memory_space<hbm>>) target(%dma_start3A_88 : memref<632x128xf32, #tpu.memory_space<vmem_shared>>) target_semaphore(%run_scoped3A_86 : memref<!tpu.dma_semaphore, #tpu.memory_space<semaphore_mem>>)
      %dma_wait3A_89 = arith.constant 0 : i32
      %dma_wait3A_90 = tpu.memref_slice %arg11[%mul3A_2, %dma_wait3A_89] : memref<10112x128xf32, #tpu.memory_space<vmem_shared>> -> memref<632x128xf32, #tpu.memory_space<vmem_shared>>
      tpu.wait_dma2 semaphore(%run_scoped3A_86 : memref<!tpu.dma_semaphore, #tpu.memory_space<semaphore_mem>>) src(%arg5 : memref<632x128xf32, #tpu.memory_space<hbm>>) dst(%dma_wait3A_90 : memref<632x128xf32, #tpu.memory_space<vmem_shared>>)
      tpu.yield
    }) : () -> ()
    %run_scoped3A = arith.constant 0 : i32
    "tpu.region"() ({
      %run_scoped3A_86 = tpu.sem_alloc : memref<!tpu.dma_semaphore, #tpu.memory_space<semaphore_mem>>
      %dma_start3A_87 = arith.constant 0 : i32
      %dma_start3A_88 = tpu.memref_slice %arg3[%add3A, %run_scoped3A, %dma_start3A_87] : memref<32x1x10000xi32, #tpu.memory_space<hbm>> -> memref<1x1x10000xi32, #tpu.memory_space<hbm>>
      %dma_start3A_89 = tpu.memref_squeeze %dma_start3A_88 : memref<1x1x10000xi32, #tpu.memory_space<hbm>> -> memref<10000xi32, #tpu.memory_space<hbm>>
      %dma_start3A_90 = arith.constant 0 : i32
      %dma_start3A_91 = tpu.memref_slice %arg3[%add3A, %run_scoped3A, %dma_start3A_90] : memref<32x1x10000xi32, #tpu.memory_space<hbm>> -> memref<1x1x10000xi32, #tpu.memory_space<hbm>>
      %dma_start3A_92 = tpu.memref_squeeze %dma_start3A_91 : memref<1x1x10000xi32, #tpu.memory_space<hbm>> -> memref<10000xi32, #tpu.memory_space<hbm>>
      tpu.enqueue_dma source(%dma_start3A_92 : memref<10000xi32, #tpu.memory_space<hbm>>) target(%arg7 : memref<10000xi32, #tpu.memory_space<vmem>>) target_semaphore(%run_scoped3A_86 : memref<!tpu.dma_semaphore, #tpu.memory_space<semaphore_mem>>)
      %dma_wait3A_93 = arith.constant 0 : i32
      %dma_wait3A_94 = tpu.memref_slice %arg3[%add3A, %run_scoped3A, %dma_wait3A_93] : memref<32x1x10000xi32, #tpu.memory_space<hbm>> -> memref<1x1x10000xi32, #tpu.memory_space<hbm>>
      %dma_wait3A_95 = tpu.memref_squeeze %dma_wait3A_94 : memref<1x1x10000xi32, #tpu.memory_space<hbm>> -> memref<10000xi32, #tpu.memory_space<hbm>>
      %dma_wait3A_96 = arith.constant 0 : i32
      %dma_wait3A_97 = tpu.memref_slice %arg3[%add3A, %run_scoped3A, %dma_wait3A_96] : memref<32x1x10000xi32, #tpu.memory_space<hbm>> -> memref<1x1x10000xi32, #tpu.memory_space<hbm>>
      %dma_wait3A_98 = tpu.memref_squeeze %dma_wait3A_97 : memref<1x1x10000xi32, #tpu.memory_space<hbm>> -> memref<10000xi32, #tpu.memory_space<hbm>>
      tpu.wait_dma2 semaphore(%run_scoped3A_86 : memref<!tpu.dma_semaphore, #tpu.memory_space<semaphore_mem>>) src(%dma_wait3A_98 : memref<10000xi32, #tpu.memory_space<hbm>>) dst(%arg7 : memref<10000xi32, #tpu.memory_space<vmem>>)
      tpu.yield
    }) : () -> ()
    "tpu.region"() ({
      %run_scoped3A_86 = tpu.sem_alloc : memref<!tpu.dma_semaphore, #tpu.memory_space<semaphore_mem>>
      %dma_start3A_87 = arith.constant 0 : i32
      %dma_start3A_88 = arith.constant 0 : i32
      %dma_start3A_89 = tpu.memref_slice %arg4[%add3A, %dma_start3A_87, %dma_start3A_88] : memref<32x125x80xi32, #tpu.memory_space<hbm>> -> memref<1x125x80xi32, #tpu.memory_space<hbm>>
      %dma_start3A_90 = tpu.memref_squeeze %dma_start3A_89 : memref<1x125x80xi32, #tpu.memory_space<hbm>> -> memref<125x80xi32, #tpu.memory_space<hbm>>
      %dma_start3A_91 = arith.constant 0 : i32
      %dma_start3A_92 = arith.constant 0 : i32
      %dma_start3A_93 = tpu.memref_slice %arg4[%add3A, %dma_start3A_91, %dma_start3A_92] : memref<32x125x80xi32, #tpu.memory_space<hbm>> -> memref<1x125x80xi32, #tpu.memory_space<hbm>>
      %dma_start3A_94 = tpu.memref_squeeze %dma_start3A_93 : memref<1x125x80xi32, #tpu.memory_space<hbm>> -> memref<125x80xi32, #tpu.memory_space<hbm>>
      tpu.enqueue_dma source(%dma_start3A_94 : memref<125x80xi32, #tpu.memory_space<hbm>>) target(%arg8 : memref<125x80xi32, #tpu.memory_space<vmem>>) target_semaphore(%run_scoped3A_86 : memref<!tpu.dma_semaphore, #tpu.memory_space<semaphore_mem>>)
      %dma_wait3A_95 = arith.constant 0 : i32
      %dma_wait3A_96 = arith.constant 0 : i32
      %dma_wait3A_97 = tpu.memref_slice %arg4[%add3A, %dma_wait3A_95, %dma_wait3A_96] : memref<32x125x80xi32, #tpu.memory_space<hbm>> -> memref<1x125x80xi32, #tpu.memory_space<hbm>>
      %dma_wait3A_98 = tpu.memref_squeeze %dma_wait3A_97 : memref<1x125x80xi32, #tpu.memory_space<hbm>> -> memref<125x80xi32, #tpu.memory_space<hbm>>
      %dma_wait3A_99 = arith.constant 0 : i32
      %dma_wait3A_100 = arith.constant 0 : i32
      %dma_wait3A_101 = tpu.memref_slice %arg4[%add3A, %dma_wait3A_99, %dma_wait3A_100] : memref<32x125x80xi32, #tpu.memory_space<hbm>> -> memref<1x125x80xi32, #tpu.memory_space<hbm>>
      %dma_wait3A_102 = tpu.memref_squeeze %dma_wait3A_101 : memref<1x125x80xi32, #tpu.memory_space<hbm>> -> memref<125x80xi32, #tpu.memory_space<hbm>>
      tpu.wait_dma2 semaphore(%run_scoped3A_86 : memref<!tpu.dma_semaphore, #tpu.memory_space<semaphore_mem>>) src(%dma_wait3A_102 : memref<125x80xi32, #tpu.memory_space<hbm>>) dst(%arg8 : memref<125x80xi32, #tpu.memory_space<vmem>>)
      tpu.yield
    }) : () -> ()
    %barrier3A = arith.constant 0 : index
    tpu.barrier barrier_id(%barrier3A)
    %multiple_of3A = arith.constant 0 : i32
    %multiple_of3A_3 = tpu.assume_multiple %multiple_of3A, 80 : i32
    %dma_start3A = tpu.memref_slice %arg7[%multiple_of3A_3] : memref<10000xi32, #tpu.memory_space<vmem>> -> memref<80xi32, #tpu.memory_space<vmem>>
    %dma_start3A_4 = arith.constant 0 : i32
    %dma_start3A_5 = arith.constant 0 : i32
    %dma_start3A_6 = tpu.memref_slice %arg2[%dma_start3A_4, %dma_start3A_5] : memref<10000x128xf32, #tpu.memory_space<hbm>> -> memref<10000x128xf32, #tpu.memory_space<hbm>>
    tpu.enqueue_indirect_dma source(%dma_start3A_6 : memref<10000x128xf32, #tpu.memory_space<hbm>>) target(%arg9 : memref<80x128xf32, #tpu.memory_space<vmem>>) offsets(%dma_start3A : memref<80xi32, #tpu.memory_space<vmem>>) semaphore(%arg12 : memref<!tpu.dma_semaphore, #tpu.memory_space<semaphore_mem>>)
    %multiple_of3A_7 = arith.constant 80 : i32
    %multiple_of3A_8 = tpu.assume_multiple %multiple_of3A_7, 80 : i32
    %dma_start3A_9 = tpu.memref_slice %arg7[%multiple_of3A_8] : memref<10000xi32, #tpu.memory_space<vmem>> -> memref<80xi32, #tpu.memory_space<vmem>>
    %dma_start3A_10 = arith.constant 0 : i32
    %dma_start3A_11 = arith.constant 0 : i32
    %dma_start3A_12 = tpu.memref_slice %arg2[%dma_start3A_10, %dma_start3A_11] : memref<10000x128xf32, #tpu.memory_space<hbm>> -> memref<10000x128xf32, #tpu.memory_space<hbm>>
    tpu.enqueue_indirect_dma source(%dma_start3A_12 : memref<10000x128xf32, #tpu.memory_space<hbm>>) target(%arg10 : memref<80x128xf32, #tpu.memory_space<vmem>>) offsets(%dma_start3A_9 : memref<80xi32, #tpu.memory_space<vmem>>) semaphore(%arg13 : memref<!tpu.dma_semaphore, #tpu.memory_space<semaphore_mem>>)
    %scan3A = arith.constant 0 : i32
    %scan3A_13 = arith.constant 0 : i32
    %scan3A_14 = arith.constant 61 : i32
    %scan3A_15 = arith.addi %scan3A_13, %scan3A_14 : i32
    %scan3A_16 = arith.constant 1 : i32
    scf.for %scan3A_86 = %scan3A_13 to %scan3A_15 step %scan3A_16  : i32 {
      %mul3A_87 = arith.constant 2 : i32
      %mul3A_88 = arith.muli %mul3A_87, %scan3A_86 : i32
      %multiple_of3A_89 = arith.constant 0 : i32
      %multiple_of3A_90 = tpu.assume_multiple %multiple_of3A_89, 80 : i32
      %dma_wait3A_91 = tpu.memref_slice %arg7[%multiple_of3A_90] : memref<10000xi32, #tpu.memory_space<vmem>> -> memref<80xi32, #tpu.memory_space<vmem>>
      %dma_wait3A_92 = arith.constant 0 : i32
      %dma_wait3A_93 = arith.constant 0 : i32
      %dma_wait3A_94 = tpu.memref_slice %arg2[%dma_wait3A_92, %dma_wait3A_93] : memref<10000x128xf32, #tpu.memory_space<hbm>> -> memref<10000x128xf32, #tpu.memory_space<hbm>>
      tpu.wait_indirect_dma semaphore(%arg12 : memref<!tpu.dma_semaphore, #tpu.memory_space<semaphore_mem>>) src(%dma_wait3A_94 : memref<10000x128xf32, #tpu.memory_space<hbm>>) dst(%arg9 : memref<80x128xf32, #tpu.memory_space<vmem>>)
      %dma_start3A_95 = arith.constant 0 : i32
      %dma_start3A_96 = tpu.memref_slice %arg8[%mul3A_88, %dma_start3A_95] : memref<125x80xi32, #tpu.memory_space<vmem>> -> memref<1x80xi32, #tpu.memory_space<vmem>>
      %dma_start3A_97 = tpu.memref_squeeze %dma_start3A_96 : memref<1x80xi32, #tpu.memory_space<vmem>> -> memref<80xi32, #tpu.memory_space<vmem>>
      %dma_start3A_98 = arith.constant 0 : i32
      %dma_start3A_99 = arith.constant 0 : i32
      %dma_start3A_100 = tpu.memref_slice %arg11[%dma_start3A_98, %dma_start3A_99] : memref<10112x128xf32, #tpu.memory_space<vmem_shared>> -> memref<10112x128xf32, #tpu.memory_space<vmem_shared>>
      tpu.enqueue_indirect_dma source(%arg9 : memref<80x128xf32, #tpu.memory_space<vmem>>) target(%dma_start3A_100 : memref<10112x128xf32, #tpu.memory_space<vmem_shared>>) offsets(%dma_start3A_97 : memref<80xi32, #tpu.memory_space<vmem>>) semaphore(%arg14 : memref<!tpu.dma_semaphore, #tpu.memory_space<semaphore_mem>>) {add = true}
      %multiple_of3A_101 = arith.constant 0 : i32
      %multiple_of3A_102 = tpu.assume_multiple %multiple_of3A_101, 80 : i32
      %dma_wait3A_103 = tpu.memref_slice %arg7[%multiple_of3A_102] : memref<10000xi32, #tpu.memory_space<vmem>> -> memref<80xi32, #tpu.memory_space<vmem>>
      %dma_wait3A_104 = arith.constant 0 : i32
      %dma_wait3A_105 = arith.constant 0 : i32
      %dma_wait3A_106 = tpu.memref_slice %arg2[%dma_wait3A_104, %dma_wait3A_105] : memref<10000x128xf32, #tpu.memory_space<hbm>> -> memref<10000x128xf32, #tpu.memory_space<hbm>>
      tpu.wait_indirect_dma semaphore(%arg13 : memref<!tpu.dma_semaphore, #tpu.memory_space<semaphore_mem>>) src(%dma_wait3A_106 : memref<10000x128xf32, #tpu.memory_space<hbm>>) dst(%arg10 : memref<80x128xf32, #tpu.memory_space<vmem>>)
      %add3A_107 = arith.constant 1 : i32
      %add3A_108 = arith.addi %mul3A_88, %add3A_107 : i32
      %dma_start3A_109 = arith.constant 0 : i32
      %dma_start3A_110 = tpu.memref_slice %arg8[%add3A_108, %dma_start3A_109] : memref<125x80xi32, #tpu.memory_space<vmem>> -> memref<1x80xi32, #tpu.memory_space<vmem>>
      %dma_start3A_111 = tpu.memref_squeeze %dma_start3A_110 : memref<1x80xi32, #tpu.memory_space<vmem>> -> memref<80xi32, #tpu.memory_space<vmem>>
      %dma_start3A_112 = arith.constant 0 : i32
      %dma_start3A_113 = arith.constant 0 : i32
      %dma_start3A_114 = tpu.memref_slice %arg11[%dma_start3A_112, %dma_start3A_113] : memref<10112x128xf32, #tpu.memory_space<vmem_shared>> -> memref<10112x128xf32, #tpu.memory_space<vmem_shared>>
      tpu.enqueue_indirect_dma source(%arg10 : memref<80x128xf32, #tpu.memory_space<vmem>>) target(%dma_start3A_114 : memref<10112x128xf32, #tpu.memory_space<vmem_shared>>) offsets(%dma_start3A_111 : memref<80xi32, #tpu.memory_space<vmem>>) semaphore(%arg15 : memref<!tpu.dma_semaphore, #tpu.memory_space<semaphore_mem>>) {add = true}
      %dma_wait3A_115 = arith.constant 0 : i32
      %dma_wait3A_116 = arith.constant 0 : i32
      %dma_wait3A_117 = tpu.memref_slice %arg8[%dma_wait3A_115, %dma_wait3A_116] : memref<125x80xi32, #tpu.memory_space<vmem>> -> memref<1x80xi32, #tpu.memory_space<vmem>>
      %dma_wait3A_118 = tpu.memref_squeeze %dma_wait3A_117 : memref<1x80xi32, #tpu.memory_space<vmem>> -> memref<80xi32, #tpu.memory_space<vmem>>
      %dma_wait3A_119 = arith.constant 0 : i32
      %dma_wait3A_120 = arith.constant 0 : i32
      %dma_wait3A_121 = tpu.memref_slice %arg11[%dma_wait3A_119, %dma_wait3A_120] : memref<10112x128xf32, #tpu.memory_space<vmem_shared>> -> memref<10112x128xf32, #tpu.memory_space<vmem_shared>>
      tpu.wait_indirect_dma semaphore(%arg14 : memref<!tpu.dma_semaphore, #tpu.memory_space<semaphore_mem>>) src(%arg9 : memref<80x128xf32, #tpu.memory_space<vmem>>) dst(%dma_wait3A_121 : memref<10112x128xf32, #tpu.memory_space<vmem_shared>>)
      %add3A_122 = arith.constant 2 : i32
      %add3A_123 = arith.addi %mul3A_88, %add3A_122 : i32
      %mul3A_124 = arith.constant 80 : i32
      %mul3A_125 = arith.muli %add3A_123, %mul3A_124 : i32
      %multiple_of3A_126 = tpu.assume_multiple %mul3A_125, 80 : i32
      %dma_start3A_127 = tpu.memref_slice %arg7[%multiple_of3A_126] : memref<10000xi32, #tpu.memory_space<vmem>> -> memref<80xi32, #tpu.memory_space<vmem>>
      %dma_start3A_128 = arith.constant 0 : i32
      %dma_start3A_129 = arith.constant 0 : i32
      %dma_start3A_130 = tpu.memref_slice %arg2[%dma_start3A_128, %dma_start3A_129] : memref<10000x128xf32, #tpu.memory_space<hbm>> -> memref<10000x128xf32, #tpu.memory_space<hbm>>
      tpu.enqueue_indirect_dma source(%dma_start3A_130 : memref<10000x128xf32, #tpu.memory_space<hbm>>) target(%arg9 : memref<80x128xf32, #tpu.memory_space<vmem>>) offsets(%dma_start3A_127 : memref<80xi32, #tpu.memory_space<vmem>>) semaphore(%arg12 : memref<!tpu.dma_semaphore, #tpu.memory_space<semaphore_mem>>)
      %dma_wait3A_131 = arith.constant 0 : i32
      %dma_wait3A_132 = arith.constant 0 : i32
      %dma_wait3A_133 = tpu.memref_slice %arg8[%dma_wait3A_131, %dma_wait3A_132] : memref<125x80xi32, #tpu.memory_space<vmem>> -> memref<1x80xi32, #tpu.memory_space<vmem>>
      %dma_wait3A_134 = tpu.memref_squeeze %dma_wait3A_133 : memref<1x80xi32, #tpu.memory_space<vmem>> -> memref<80xi32, #tpu.memory_space<vmem>>
      %dma_wait3A_135 = arith.constant 0 : i32
      %dma_wait3A_136 = arith.constant 0 : i32
      %dma_wait3A_137 = tpu.memref_slice %arg11[%dma_wait3A_135, %dma_wait3A_136] : memref<10112x128xf32, #tpu.memory_space<vmem_shared>> -> memref<10112x128xf32, #tpu.memory_space<vmem_shared>>
      tpu.wait_indirect_dma semaphore(%arg15 : memref<!tpu.dma_semaphore, #tpu.memory_space<semaphore_mem>>) src(%arg10 : memref<80x128xf32, #tpu.memory_space<vmem>>) dst(%dma_wait3A_137 : memref<10112x128xf32, #tpu.memory_space<vmem_shared>>)
      %add3A_138 = arith.constant 3 : i32
      %add3A_139 = arith.addi %mul3A_88, %add3A_138 : i32
      %mul3A_140 = arith.constant 80 : i32
      %mul3A_141 = arith.muli %add3A_139, %mul3A_140 : i32
      %multiple_of3A_142 = tpu.assume_multiple %mul3A_141, 80 : i32
      %dma_start3A_143 = tpu.memref_slice %arg7[%multiple_of3A_142] : memref<10000xi32, #tpu.memory_space<vmem>> -> memref<80xi32, #tpu.memory_space<vmem>>
      %dma_start3A_144 = arith.constant 0 : i32
      %dma_start3A_145 = arith.constant 0 : i32
      %dma_start3A_146 = tpu.memref_slice %arg2[%dma_start3A_144, %dma_start3A_145] : memref<10000x128xf32, #tpu.memory_space<hbm>> -> memref<10000x128xf32, #tpu.memory_space<hbm>>
      tpu.enqueue_indirect_dma source(%dma_start3A_146 : memref<10000x128xf32, #tpu.memory_space<hbm>>) target(%arg10 : memref<80x128xf32, #tpu.memory_space<vmem>>) offsets(%dma_start3A_143 : memref<80xi32, #tpu.memory_space<vmem>>) semaphore(%arg13 : memref<!tpu.dma_semaphore, #tpu.memory_space<semaphore_mem>>)
    }
    %scan3A_17 = arith.constant 61 : i32
    %multiple_of3A_18 = arith.constant 0 : i32
    %multiple_of3A_19 = tpu.assume_multiple %multiple_of3A_18, 80 : i32
    %dma_wait3A = tpu.memref_slice %arg7[%multiple_of3A_19] : memref<10000xi32, #tpu.memory_space<vmem>> -> memref<80xi32, #tpu.memory_space<vmem>>
    %dma_wait3A_20 = arith.constant 0 : i32
    %dma_wait3A_21 = arith.constant 0 : i32
    %dma_wait3A_22 = tpu.memref_slice %arg2[%dma_wait3A_20, %dma_wait3A_21] : memref<10000x128xf32, #tpu.memory_space<hbm>> -> memref<10000x128xf32, #tpu.memory_space<hbm>>
    tpu.wait_indirect_dma semaphore(%arg12 : memref<!tpu.dma_semaphore, #tpu.memory_space<semaphore_mem>>) src(%dma_wait3A_22 : memref<10000x128xf32, #tpu.memory_space<hbm>>) dst(%arg9 : memref<80x128xf32, #tpu.memory_space<vmem>>)
    %dma_start3A_23 = arith.constant 122 : i32
    %dma_start3A_24 = arith.constant 0 : i32
    %dma_start3A_25 = tpu.memref_slice %arg8[%dma_start3A_23, %dma_start3A_24] : memref<125x80xi32, #tpu.memory_space<vmem>> -> memref<1x80xi32, #tpu.memory_space<vmem>>
    %dma_start3A_26 = tpu.memref_squeeze %dma_start3A_25 : memref<1x80xi32, #tpu.memory_space<vmem>> -> memref<80xi32, #tpu.memory_space<vmem>>
    %dma_start3A_27 = arith.constant 0 : i32
    %dma_start3A_28 = arith.constant 0 : i32
    %dma_start3A_29 = tpu.memref_slice %arg11[%dma_start3A_27, %dma_start3A_28] : memref<10112x128xf32, #tpu.memory_space<vmem_shared>> -> memref<10112x128xf32, #tpu.memory_space<vmem_shared>>
    tpu.enqueue_indirect_dma source(%arg9 : memref<80x128xf32, #tpu.memory_space<vmem>>) target(%dma_start3A_29 : memref<10112x128xf32, #tpu.memory_space<vmem_shared>>) offsets(%dma_start3A_26 : memref<80xi32, #tpu.memory_space<vmem>>) semaphore(%arg14 : memref<!tpu.dma_semaphore, #tpu.memory_space<semaphore_mem>>) {add = true}
    %multiple_of3A_30 = arith.constant 0 : i32
    %multiple_of3A_31 = tpu.assume_multiple %multiple_of3A_30, 80 : i32
    %dma_wait3A_32 = tpu.memref_slice %arg7[%multiple_of3A_31] : memref<10000xi32, #tpu.memory_space<vmem>> -> memref<80xi32, #tpu.memory_space<vmem>>
    %dma_wait3A_33 = arith.constant 0 : i32
    %dma_wait3A_34 = arith.constant 0 : i32
    %dma_wait3A_35 = tpu.memref_slice %arg2[%dma_wait3A_33, %dma_wait3A_34] : memref<10000x128xf32, #tpu.memory_space<hbm>> -> memref<10000x128xf32, #tpu.memory_space<hbm>>
    tpu.wait_indirect_dma semaphore(%arg13 : memref<!tpu.dma_semaphore, #tpu.memory_space<semaphore_mem>>) src(%dma_wait3A_35 : memref<10000x128xf32, #tpu.memory_space<hbm>>) dst(%arg10 : memref<80x128xf32, #tpu.memory_space<vmem>>)
    %dma_start3A_36 = arith.constant 123 : i32
    %dma_start3A_37 = arith.constant 0 : i32
    %dma_start3A_38 = tpu.memref_slice %arg8[%dma_start3A_36, %dma_start3A_37] : memref<125x80xi32, #tpu.memory_space<vmem>> -> memref<1x80xi32, #tpu.memory_space<vmem>>
    %dma_start3A_39 = tpu.memref_squeeze %dma_start3A_38 : memref<1x80xi32, #tpu.memory_space<vmem>> -> memref<80xi32, #tpu.memory_space<vmem>>
    %dma_start3A_40 = arith.constant 0 : i32
    %dma_start3A_41 = arith.constant 0 : i32
    %dma_start3A_42 = tpu.memref_slice %arg11[%dma_start3A_40, %dma_start3A_41] : memref<10112x128xf32, #tpu.memory_space<vmem_shared>> -> memref<10112x128xf32, #tpu.memory_space<vmem_shared>>
    tpu.enqueue_indirect_dma source(%arg10 : memref<80x128xf32, #tpu.memory_space<vmem>>) target(%dma_start3A_42 : memref<10112x128xf32, #tpu.memory_space<vmem_shared>>) offsets(%dma_start3A_39 : memref<80xi32, #tpu.memory_space<vmem>>) semaphore(%arg15 : memref<!tpu.dma_semaphore, #tpu.memory_space<semaphore_mem>>) {add = true}
    %dma_wait3A_43 = arith.constant 0 : i32
    %dma_wait3A_44 = arith.constant 0 : i32
    %dma_wait3A_45 = tpu.memref_slice %arg8[%dma_wait3A_43, %dma_wait3A_44] : memref<125x80xi32, #tpu.memory_space<vmem>> -> memref<1x80xi32, #tpu.memory_space<vmem>>
    %dma_wait3A_46 = tpu.memref_squeeze %dma_wait3A_45 : memref<1x80xi32, #tpu.memory_space<vmem>> -> memref<80xi32, #tpu.memory_space<vmem>>
    %dma_wait3A_47 = arith.constant 0 : i32
    %dma_wait3A_48 = arith.constant 0 : i32
    %dma_wait3A_49 = tpu.memref_slice %arg11[%dma_wait3A_47, %dma_wait3A_48] : memref<10112x128xf32, #tpu.memory_space<vmem_shared>> -> memref<10112x128xf32, #tpu.memory_space<vmem_shared>>
    tpu.wait_indirect_dma semaphore(%arg14 : memref<!tpu.dma_semaphore, #tpu.memory_space<semaphore_mem>>) src(%arg9 : memref<80x128xf32, #tpu.memory_space<vmem>>) dst(%dma_wait3A_49 : memref<10112x128xf32, #tpu.memory_space<vmem_shared>>)
    %multiple_of3A_50 = arith.constant 9920 : i32
    %multiple_of3A_51 = tpu.assume_multiple %multiple_of3A_50, 80 : i32
    %dma_start3A_52 = tpu.memref_slice %arg7[%multiple_of3A_51] : memref<10000xi32, #tpu.memory_space<vmem>> -> memref<80xi32, #tpu.memory_space<vmem>>
    %dma_start3A_53 = arith.constant 0 : i32
    %dma_start3A_54 = arith.constant 0 : i32
    %dma_start3A_55 = tpu.memref_slice %arg2[%dma_start3A_53, %dma_start3A_54] : memref<10000x128xf32, #tpu.memory_space<hbm>> -> memref<10000x128xf32, #tpu.memory_space<hbm>>
    tpu.enqueue_indirect_dma source(%dma_start3A_55 : memref<10000x128xf32, #tpu.memory_space<hbm>>) target(%arg9 : memref<80x128xf32, #tpu.memory_space<vmem>>) offsets(%dma_start3A_52 : memref<80xi32, #tpu.memory_space<vmem>>) semaphore(%arg12 : memref<!tpu.dma_semaphore, #tpu.memory_space<semaphore_mem>>)
    %multiple_of3A_56 = arith.constant 0 : i32
    %multiple_of3A_57 = tpu.assume_multiple %multiple_of3A_56, 80 : i32
    %dma_wait3A_58 = tpu.memref_slice %arg7[%multiple_of3A_57] : memref<10000xi32, #tpu.memory_space<vmem>> -> memref<80xi32, #tpu.memory_space<vmem>>
    %dma_wait3A_59 = arith.constant 0 : i32
    %dma_wait3A_60 = arith.constant 0 : i32
    %dma_wait3A_61 = tpu.memref_slice %arg2[%dma_wait3A_59, %dma_wait3A_60] : memref<10000x128xf32, #tpu.memory_space<hbm>> -> memref<10000x128xf32, #tpu.memory_space<hbm>>
    tpu.wait_indirect_dma semaphore(%arg12 : memref<!tpu.dma_semaphore, #tpu.memory_space<semaphore_mem>>) src(%dma_wait3A_61 : memref<10000x128xf32, #tpu.memory_space<hbm>>) dst(%arg9 : memref<80x128xf32, #tpu.memory_space<vmem>>)
    %dma_start3A_62 = arith.constant 124 : i32
    %dma_start3A_63 = arith.constant 0 : i32
    %dma_start3A_64 = tpu.memref_slice %arg8[%dma_start3A_62, %dma_start3A_63] : memref<125x80xi32, #tpu.memory_space<vmem>> -> memref<1x80xi32, #tpu.memory_space<vmem>>
    %dma_start3A_65 = tpu.memref_squeeze %dma_start3A_64 : memref<1x80xi32, #tpu.memory_space<vmem>> -> memref<80xi32, #tpu.memory_space<vmem>>
    %dma_start3A_66 = arith.constant 0 : i32
    %dma_start3A_67 = arith.constant 0 : i32
    %dma_start3A_68 = tpu.memref_slice %arg11[%dma_start3A_66, %dma_start3A_67] : memref<10112x128xf32, #tpu.memory_space<vmem_shared>> -> memref<10112x128xf32, #tpu.memory_space<vmem_shared>>
    tpu.enqueue_indirect_dma source(%arg9 : memref<80x128xf32, #tpu.memory_space<vmem>>) target(%dma_start3A_68 : memref<10112x128xf32, #tpu.memory_space<vmem_shared>>) offsets(%dma_start3A_65 : memref<80xi32, #tpu.memory_space<vmem>>) semaphore(%arg14 : memref<!tpu.dma_semaphore, #tpu.memory_space<semaphore_mem>>) {add = true}
    %dma_wait3A_69 = arith.constant 0 : i32
    %dma_wait3A_70 = arith.constant 0 : i32
    %dma_wait3A_71 = tpu.memref_slice %arg8[%dma_wait3A_69, %dma_wait3A_70] : memref<125x80xi32, #tpu.memory_space<vmem>> -> memref<1x80xi32, #tpu.memory_space<vmem>>
    %dma_wait3A_72 = tpu.memref_squeeze %dma_wait3A_71 : memref<1x80xi32, #tpu.memory_space<vmem>> -> memref<80xi32, #tpu.memory_space<vmem>>
    %dma_wait3A_73 = arith.constant 0 : i32
    %dma_wait3A_74 = arith.constant 0 : i32
    %dma_wait3A_75 = tpu.memref_slice %arg11[%dma_wait3A_73, %dma_wait3A_74] : memref<10112x128xf32, #tpu.memory_space<vmem_shared>> -> memref<10112x128xf32, #tpu.memory_space<vmem_shared>>
    tpu.wait_indirect_dma semaphore(%arg15 : memref<!tpu.dma_semaphore, #tpu.memory_space<semaphore_mem>>) src(%arg10 : memref<80x128xf32, #tpu.memory_space<vmem>>) dst(%dma_wait3A_75 : memref<10112x128xf32, #tpu.memory_space<vmem_shared>>)
    %dma_wait3A_76 = arith.constant 0 : i32
    %dma_wait3A_77 = arith.constant 0 : i32
    %dma_wait3A_78 = tpu.memref_slice %arg8[%dma_wait3A_76, %dma_wait3A_77] : memref<125x80xi32, #tpu.memory_space<vmem>> -> memref<1x80xi32, #tpu.memory_space<vmem>>
    %dma_wait3A_79 = tpu.memref_squeeze %dma_wait3A_78 : memref<1x80xi32, #tpu.memory_space<vmem>> -> memref<80xi32, #tpu.memory_space<vmem>>
    %dma_wait3A_80 = arith.constant 0 : i32
    %dma_wait3A_81 = arith.constant 0 : i32
    %dma_wait3A_82 = tpu.memref_slice %arg11[%dma_wait3A_80, %dma_wait3A_81] : memref<10112x128xf32, #tpu.memory_space<vmem_shared>> -> memref<10112x128xf32, #tpu.memory_space<vmem_shared>>
    tpu.wait_indirect_dma semaphore(%arg14 : memref<!tpu.dma_semaphore, #tpu.memory_space<semaphore_mem>>) src(%arg9 : memref<80x128xf32, #tpu.memory_space<vmem>>) dst(%dma_wait3A_82 : memref<10112x128xf32, #tpu.memory_space<vmem_shared>>)
    %barrier3A_83 = arith.constant 0 : index
    tpu.barrier barrier_id(%barrier3A_83)
    %mul3A_84 = arith.constant 632 : i32
    %mul3A_85 = arith.muli %arg1, %mul3A_84 : i32
    "tpu.region"() ({
      %run_scoped3A_86 = tpu.sem_alloc : memref<!tpu.dma_semaphore, #tpu.memory_space<semaphore_mem>>
      %dma_start3A_87 = arith.constant 0 : i32
      %dma_start3A_88 = arith.constant 0 : i32
      %dma_start3A_89 = tpu.memref_slice %arg6[%arg0, %dma_start3A_87, %dma_start3A_88] : memref<2x10112x128xf32, #tpu.memory_space<hbm>> -> memref<1x10112x128xf32, #tpu.memory_space<hbm>>
      %dma_start3A_90 = tpu.memref_squeeze %dma_start3A_89 : memref<1x10112x128xf32, #tpu.memory_space<hbm>> -> memref<10112x128xf32, #tpu.memory_space<hbm>>
      %dma_start3A_91 = arith.constant 0 : i32
      %dma_start3A_92 = tpu.memref_slice %dma_start3A_90[%mul3A_85, %dma_start3A_91] : memref<10112x128xf32, #tpu.memory_space<hbm>> -> memref<632x128xf32, #tpu.memory_space<hbm>>
      %dma_start3A_93 = arith.constant 0 : i32
      %dma_start3A_94 = tpu.memref_slice %arg11[%mul3A_85, %dma_start3A_93] : memref<10112x128xf32, #tpu.memory_space<vmem_shared>> -> memref<632x128xf32, #tpu.memory_space<vmem_shared>>
      tpu.enqueue_dma source(%dma_start3A_94 : memref<632x128xf32, #tpu.memory_space<vmem_shared>>) target(%dma_start3A_92 : memref<632x128xf32, #tpu.memory_space<hbm>>) target_semaphore(%run_scoped3A_86 : memref<!tpu.dma_semaphore, #tpu.memory_space<semaphore_mem>>)
      %dma_wait3A_95 = arith.constant 0 : i32
      %dma_wait3A_96 = arith.constant 0 : i32
      %dma_wait3A_97 = tpu.memref_slice %arg6[%arg0, %dma_wait3A_95, %dma_wait3A_96] : memref<2x10112x128xf32, #tpu.memory_space<hbm>> -> memref<1x10112x128xf32, #tpu.memory_space<hbm>>
      %dma_wait3A_98 = tpu.memref_squeeze %dma_wait3A_97 : memref<1x10112x128xf32, #tpu.memory_space<hbm>> -> memref<10112x128xf32, #tpu.memory_space<hbm>>
      %dma_wait3A_99 = arith.constant 0 : i32
      %dma_wait3A_100 = tpu.memref_slice %dma_wait3A_98[%mul3A_85, %dma_wait3A_99] : memref<10112x128xf32, #tpu.memory_space<hbm>> -> memref<632x128xf32, #tpu.memory_space<hbm>>
      %dma_wait3A_101 = arith.constant 0 : i32
      %dma_wait3A_102 = tpu.memref_slice %arg11[%mul3A_85, %dma_wait3A_101] : memref<10112x128xf32, #tpu.memory_space<vmem_shared>> -> memref<632x128xf32, #tpu.memory_space<vmem_shared>>
      tpu.wait_dma2 semaphore(%run_scoped3A_86 : memref<!tpu.dma_semaphore, #tpu.memory_space<semaphore_mem>>) src(%dma_wait3A_102 : memref<632x128xf32, #tpu.memory_space<vmem_shared>>) dst(%dma_wait3A_100 : memref<632x128xf32, #tpu.memory_space<hbm>>)
      tpu.yield
    }) : () -> ()
    return
  }
}

#map = affine_map<(d0, d1) -> (0, 0)>
#map1 = affine_map<(d0, d1) -> (0, 0, 0)>
module attributes {stable_mosaic.version = 14 : i64} {
  func.func @_sc_agg(%arg0: i32, %arg1: i32, %arg2: memref<10000x128xf32, #tpu.memory_space<hbm>>, %arg3: memref<32x1x10000xi32, #tpu.memory_space<hbm>>, %arg4: memref<32x125x80xi32, #tpu.memory_space<hbm>>, %arg5: memref<632x128xf32, #tpu.memory_space<hbm>>, %arg6: memref<2x10112x128xf32, #tpu.memory_space<hbm>>, %arg7: memref<10000xi32, #tpu.memory_space<vmem>>, %arg8: memref<125x80xi32, #tpu.memory_space<vmem>>, %arg9: memref<80x128xf32, #tpu.memory_space<vmem>>, %arg10: memref<80x128xf32, #tpu.memory_space<vmem>>, %arg11: memref<10112x128xf32, #tpu.memory_space<vmem_shared>>, %arg12: memref<!tpu.dma_semaphore, #tpu.memory_space<semaphore_mem>>, %arg13: memref<!tpu.dma_semaphore, #tpu.memory_space<semaphore_mem>>, %arg14: memref<!tpu.dma_semaphore, #tpu.memory_space<semaphore_mem>>, %arg15: memref<!tpu.dma_semaphore, #tpu.memory_space<semaphore_mem>>) attributes {dimension_semantics = [#tpu.dimension_semantics<core_parallel>, #tpu.dimension_semantics<subcore_parallel>], iteration_bounds = array<i64: 2, 16>, scalar_prefetch = 0 : i64, scratch_operands = 9 : i64, tpu.core_type = #tpu.core_type<sc_vector_subcore>, window_params = [{transform_indices = #map}, {transform_indices = #map1}, {transform_indices = #map1}, {transform_indices = #map}, {transform_indices = #map1}]} {
    %mul3A = arith.constant 2 : i32
    %mul3A_0 = arith.muli %arg1, %mul3A : i32
    %add3A = arith.addi %mul3A_0, %arg0 : i32
    %mul3A_1 = arith.constant 632 : i32
    %mul3A_2 = arith.muli %arg1, %mul3A_1 : i32
    "tpu.region"() ({
      %run_scoped3A_86 = tpu.sem_alloc : memref<!tpu.dma_semaphore, #tpu.memory_space<semaphore_mem>>
      %dma_start3A_87 = arith.constant 0 : i32
      %dma_start3A_88 = tpu.memref_slice %arg11[%mul3A_2, %dma_start3A_87] : memref<10112x128xf32, #tpu.memory_space<vmem_shared>> -> memref<632x128xf32, #tpu.memory_space<vmem_shared>>
      tpu.enqueue_dma source(%arg5 : memref<632x128xf32, #tpu.memory_space<hbm>>) target(%dma_start3A_88 : memref<632x128xf32, #tpu.memory_space<vmem_shared>>) target_semaphore(%run_scoped3A_86 : memref<!tpu.dma_semaphore, #tpu.memory_space<semaphore_mem>>)
      %dma_wait3A_89 = arith.constant 0 : i32
      %dma_wait3A_90 = tpu.memref_slice %arg11[%mul3A_2, %dma_wait3A_89] : memref<10112x128xf32, #tpu.memory_space<vmem_shared>> -> memref<632x128xf32, #tpu.memory_space<vmem_shared>>
      tpu.wait_dma2 semaphore(%run_scoped3A_86 : memref<!tpu.dma_semaphore, #tpu.memory_space<semaphore_mem>>) src(%arg5 : memref<632x128xf32, #tpu.memory_space<hbm>>) dst(%dma_wait3A_90 : memref<632x128xf32, #tpu.memory_space<vmem_shared>>)
      tpu.yield
    }) : () -> ()
    %run_scoped3A = arith.constant 0 : i32
    "tpu.region"() ({
      %run_scoped3A_86 = tpu.sem_alloc : memref<!tpu.dma_semaphore, #tpu.memory_space<semaphore_mem>>
      %dma_start3A_87 = arith.constant 0 : i32
      %dma_start3A_88 = tpu.memref_slice %arg3[%add3A, %run_scoped3A, %dma_start3A_87] : memref<32x1x10000xi32, #tpu.memory_space<hbm>> -> memref<1x1x10000xi32, #tpu.memory_space<hbm>>
      %dma_start3A_89 = tpu.memref_squeeze %dma_start3A_88 : memref<1x1x10000xi32, #tpu.memory_space<hbm>> -> memref<10000xi32, #tpu.memory_space<hbm>>
      %dma_start3A_90 = arith.constant 0 : i32
      %dma_start3A_91 = tpu.memref_slice %arg3[%add3A, %run_scoped3A, %dma_start3A_90] : memref<32x1x10000xi32, #tpu.memory_space<hbm>> -> memref<1x1x10000xi32, #tpu.memory_space<hbm>>
      %dma_start3A_92 = tpu.memref_squeeze %dma_start3A_91 : memref<1x1x10000xi32, #tpu.memory_space<hbm>> -> memref<10000xi32, #tpu.memory_space<hbm>>
      tpu.enqueue_dma source(%dma_start3A_92 : memref<10000xi32, #tpu.memory_space<hbm>>) target(%arg7 : memref<10000xi32, #tpu.memory_space<vmem>>) target_semaphore(%run_scoped3A_86 : memref<!tpu.dma_semaphore, #tpu.memory_space<semaphore_mem>>)
      %dma_wait3A_93 = arith.constant 0 : i32
      %dma_wait3A_94 = tpu.memref_slice %arg3[%add3A, %run_scoped3A, %dma_wait3A_93] : memref<32x1x10000xi32, #tpu.memory_space<hbm>> -> memref<1x1x10000xi32, #tpu.memory_space<hbm>>
      %dma_wait3A_95 = tpu.memref_squeeze %dma_wait3A_94 : memref<1x1x10000xi32, #tpu.memory_space<hbm>> -> memref<10000xi32, #tpu.memory_space<hbm>>
      %dma_wait3A_96 = arith.constant 0 : i32
      %dma_wait3A_97 = tpu.memref_slice %arg3[%add3A, %run_scoped3A, %dma_wait3A_96] : memref<32x1x10000xi32, #tpu.memory_space<hbm>> -> memref<1x1x10000xi32, #tpu.memory_space<hbm>>
      %dma_wait3A_98 = tpu.memref_squeeze %dma_wait3A_97 : memref<1x1x10000xi32, #tpu.memory_space<hbm>> -> memref<10000xi32, #tpu.memory_space<hbm>>
      tpu.wait_dma2 semaphore(%run_scoped3A_86 : memref<!tpu.dma_semaphore, #tpu.memory_space<semaphore_mem>>) src(%dma_wait3A_98 : memref<10000xi32, #tpu.memory_space<hbm>>) dst(%arg7 : memref<10000xi32, #tpu.memory_space<vmem>>)
      tpu.yield
    }) : () -> ()
    "tpu.region"() ({
      %run_scoped3A_86 = tpu.sem_alloc : memref<!tpu.dma_semaphore, #tpu.memory_space<semaphore_mem>>
      %dma_start3A_87 = arith.constant 0 : i32
      %dma_start3A_88 = arith.constant 0 : i32
      %dma_start3A_89 = tpu.memref_slice %arg4[%add3A, %dma_start3A_87, %dma_start3A_88] : memref<32x125x80xi32, #tpu.memory_space<hbm>> -> memref<1x125x80xi32, #tpu.memory_space<hbm>>
      %dma_start3A_90 = tpu.memref_squeeze %dma_start3A_89 : memref<1x125x80xi32, #tpu.memory_space<hbm>> -> memref<125x80xi32, #tpu.memory_space<hbm>>
      %dma_start3A_91 = arith.constant 0 : i32
      %dma_start3A_92 = arith.constant 0 : i32
      %dma_start3A_93 = tpu.memref_slice %arg4[%add3A, %dma_start3A_91, %dma_start3A_92] : memref<32x125x80xi32, #tpu.memory_space<hbm>> -> memref<1x125x80xi32, #tpu.memory_space<hbm>>
      %dma_start3A_94 = tpu.memref_squeeze %dma_start3A_93 : memref<1x125x80xi32, #tpu.memory_space<hbm>> -> memref<125x80xi32, #tpu.memory_space<hbm>>
      tpu.enqueue_dma source(%dma_start3A_94 : memref<125x80xi32, #tpu.memory_space<hbm>>) target(%arg8 : memref<125x80xi32, #tpu.memory_space<vmem>>) target_semaphore(%run_scoped3A_86 : memref<!tpu.dma_semaphore, #tpu.memory_space<semaphore_mem>>)
      %dma_wait3A_95 = arith.constant 0 : i32
      %dma_wait3A_96 = arith.constant 0 : i32
      %dma_wait3A_97 = tpu.memref_slice %arg4[%add3A, %dma_wait3A_95, %dma_wait3A_96] : memref<32x125x80xi32, #tpu.memory_space<hbm>> -> memref<1x125x80xi32, #tpu.memory_space<hbm>>
      %dma_wait3A_98 = tpu.memref_squeeze %dma_wait3A_97 : memref<1x125x80xi32, #tpu.memory_space<hbm>> -> memref<125x80xi32, #tpu.memory_space<hbm>>
      %dma_wait3A_99 = arith.constant 0 : i32
      %dma_wait3A_100 = arith.constant 0 : i32
      %dma_wait3A_101 = tpu.memref_slice %arg4[%add3A, %dma_wait3A_99, %dma_wait3A_100] : memref<32x125x80xi32, #tpu.memory_space<hbm>> -> memref<1x125x80xi32, #tpu.memory_space<hbm>>
      %dma_wait3A_102 = tpu.memref_squeeze %dma_wait3A_101 : memref<1x125x80xi32, #tpu.memory_space<hbm>> -> memref<125x80xi32, #tpu.memory_space<hbm>>
      tpu.wait_dma2 semaphore(%run_scoped3A_86 : memref<!tpu.dma_semaphore, #tpu.memory_space<semaphore_mem>>) src(%dma_wait3A_102 : memref<125x80xi32, #tpu.memory_space<hbm>>) dst(%arg8 : memref<125x80xi32, #tpu.memory_space<vmem>>)
      tpu.yield
    }) : () -> ()
    %barrier3A = arith.constant 0 : index
    tpu.barrier barrier_id(%barrier3A)
    %multiple_of3A = arith.constant 0 : i32
    %multiple_of3A_3 = tpu.assume_multiple %multiple_of3A, 80 : i32
    %dma_start3A = tpu.memref_slice %arg7[%multiple_of3A_3] : memref<10000xi32, #tpu.memory_space<vmem>> -> memref<80xi32, #tpu.memory_space<vmem>>
    %dma_start3A_4 = arith.constant 0 : i32
    %dma_start3A_5 = arith.constant 0 : i32
    %dma_start3A_6 = tpu.memref_slice %arg2[%dma_start3A_4, %dma_start3A_5] : memref<10000x128xf32, #tpu.memory_space<hbm>> -> memref<10000x128xf32, #tpu.memory_space<hbm>>
    tpu.enqueue_indirect_dma source(%dma_start3A_6 : memref<10000x128xf32, #tpu.memory_space<hbm>>) target(%arg9 : memref<80x128xf32, #tpu.memory_space<vmem>>) offsets(%dma_start3A : memref<80xi32, #tpu.memory_space<vmem>>) semaphore(%arg12 : memref<!tpu.dma_semaphore, #tpu.memory_space<semaphore_mem>>)
    %multiple_of3A_7 = arith.constant 80 : i32
    %multiple_of3A_8 = tpu.assume_multiple %multiple_of3A_7, 80 : i32
    %dma_start3A_9 = tpu.memref_slice %arg7[%multiple_of3A_8] : memref<10000xi32, #tpu.memory_space<vmem>> -> memref<80xi32, #tpu.memory_space<vmem>>
    %dma_start3A_10 = arith.constant 0 : i32
    %dma_start3A_11 = arith.constant 0 : i32
    %dma_start3A_12 = tpu.memref_slice %arg2[%dma_start3A_10, %dma_start3A_11] : memref<10000x128xf32, #tpu.memory_space<hbm>> -> memref<10000x128xf32, #tpu.memory_space<hbm>>
    tpu.enqueue_indirect_dma source(%dma_start3A_12 : memref<10000x128xf32, #tpu.memory_space<hbm>>) target(%arg10 : memref<80x128xf32, #tpu.memory_space<vmem>>) offsets(%dma_start3A_9 : memref<80xi32, #tpu.memory_space<vmem>>) semaphore(%arg13 : memref<!tpu.dma_semaphore, #tpu.memory_space<semaphore_mem>>)
    %scan3A = arith.constant 0 : i32
    %scan3A_13 = arith.constant 0 : i32
    %scan3A_14 = arith.constant 61 : i32
    %scan3A_15 = arith.addi %scan3A_13, %scan3A_14 : i32
    %scan3A_16 = arith.constant 1 : i32
    scf.for %scan3A_86 = %scan3A_13 to %scan3A_15 step %scan3A_16  : i32 {
      %mul3A_87 = arith.constant 2 : i32
      %mul3A_88 = arith.muli %mul3A_87, %scan3A_86 : i32
      %multiple_of3A_89 = arith.constant 0 : i32
      %multiple_of3A_90 = tpu.assume_multiple %multiple_of3A_89, 80 : i32
      %dma_wait3A_91 = tpu.memref_slice %arg7[%multiple_of3A_90] : memref<10000xi32, #tpu.memory_space<vmem>> -> memref<80xi32, #tpu.memory_space<vmem>>
      %dma_wait3A_92 = arith.constant 0 : i32
      %dma_wait3A_93 = arith.constant 0 : i32
      %dma_wait3A_94 = tpu.memref_slice %arg2[%dma_wait3A_92, %dma_wait3A_93] : memref<10000x128xf32, #tpu.memory_space<hbm>> -> memref<10000x128xf32, #tpu.memory_space<hbm>>
      tpu.wait_indirect_dma semaphore(%arg12 : memref<!tpu.dma_semaphore, #tpu.memory_space<semaphore_mem>>) src(%dma_wait3A_94 : memref<10000x128xf32, #tpu.memory_space<hbm>>) dst(%arg9 : memref<80x128xf32, #tpu.memory_space<vmem>>)
      %dma_start3A_95 = arith.constant 0 : i32
      %dma_start3A_96 = tpu.memref_slice %arg8[%mul3A_88, %dma_start3A_95] : memref<125x80xi32, #tpu.memory_space<vmem>> -> memref<1x80xi32, #tpu.memory_space<vmem>>
      %dma_start3A_97 = tpu.memref_squeeze %dma_start3A_96 : memref<1x80xi32, #tpu.memory_space<vmem>> -> memref<80xi32, #tpu.memory_space<vmem>>
      %dma_start3A_98 = arith.constant 0 : i32
      %dma_start3A_99 = arith.constant 0 : i32
      %dma_start3A_100 = tpu.memref_slice %arg11[%dma_start3A_98, %dma_start3A_99] : memref<10112x128xf32, #tpu.memory_space<vmem_shared>> -> memref<10112x128xf32, #tpu.memory_space<vmem_shared>>
      tpu.enqueue_indirect_dma source(%arg9 : memref<80x128xf32, #tpu.memory_space<vmem>>) target(%dma_start3A_100 : memref<10112x128xf32, #tpu.memory_space<vmem_shared>>) offsets(%dma_start3A_97 : memref<80xi32, #tpu.memory_space<vmem>>) semaphore(%arg14 : memref<!tpu.dma_semaphore, #tpu.memory_space<semaphore_mem>>) {add = true}
      %multiple_of3A_101 = arith.constant 0 : i32
      %multiple_of3A_102 = tpu.assume_multiple %multiple_of3A_101, 80 : i32
      %dma_wait3A_103 = tpu.memref_slice %arg7[%multiple_of3A_102] : memref<10000xi32, #tpu.memory_space<vmem>> -> memref<80xi32, #tpu.memory_space<vmem>>
      %dma_wait3A_104 = arith.constant 0 : i32
      %dma_wait3A_105 = arith.constant 0 : i32
      %dma_wait3A_106 = tpu.memref_slice %arg2[%dma_wait3A_104, %dma_wait3A_105] : memref<10000x128xf32, #tpu.memory_space<hbm>> -> memref<10000x128xf32, #tpu.memory_space<hbm>>
      tpu.wait_indirect_dma semaphore(%arg13 : memref<!tpu.dma_semaphore, #tpu.memory_space<semaphore_mem>>) src(%dma_wait3A_106 : memref<10000x128xf32, #tpu.memory_space<hbm>>) dst(%arg10 : memref<80x128xf32, #tpu.memory_space<vmem>>)
      %add3A_107 = arith.constant 1 : i32
      %add3A_108 = arith.addi %mul3A_88, %add3A_107 : i32
      %dma_start3A_109 = arith.constant 0 : i32
      %dma_start3A_110 = tpu.memref_slice %arg8[%add3A_108, %dma_start3A_109] : memref<125x80xi32, #tpu.memory_space<vmem>> -> memref<1x80xi32, #tpu.memory_space<vmem>>
      %dma_start3A_111 = tpu.memref_squeeze %dma_start3A_110 : memref<1x80xi32, #tpu.memory_space<vmem>> -> memref<80xi32, #tpu.memory_space<vmem>>
      %dma_start3A_112 = arith.constant 0 : i32
      %dma_start3A_113 = arith.constant 0 : i32
      %dma_start3A_114 = tpu.memref_slice %arg11[%dma_start3A_112, %dma_start3A_113] : memref<10112x128xf32, #tpu.memory_space<vmem_shared>> -> memref<10112x128xf32, #tpu.memory_space<vmem_shared>>
      tpu.enqueue_indirect_dma source(%arg10 : memref<80x128xf32, #tpu.memory_space<vmem>>) target(%dma_start3A_114 : memref<10112x128xf32, #tpu.memory_space<vmem_shared>>) offsets(%dma_start3A_111 : memref<80xi32, #tpu.memory_space<vmem>>) semaphore(%arg15 : memref<!tpu.dma_semaphore, #tpu.memory_space<semaphore_mem>>) {add = true}
      %dma_wait3A_115 = arith.constant 0 : i32
      %dma_wait3A_116 = arith.constant 0 : i32
      %dma_wait3A_117 = tpu.memref_slice %arg8[%dma_wait3A_115, %dma_wait3A_116] : memref<125x80xi32, #tpu.memory_space<vmem>> -> memref<1x80xi32, #tpu.memory_space<vmem>>
      %dma_wait3A_118 = tpu.memref_squeeze %dma_wait3A_117 : memref<1x80xi32, #tpu.memory_space<vmem>> -> memref<80xi32, #tpu.memory_space<vmem>>
      %dma_wait3A_119 = arith.constant 0 : i32
      %dma_wait3A_120 = arith.constant 0 : i32
      %dma_wait3A_121 = tpu.memref_slice %arg11[%dma_wait3A_119, %dma_wait3A_120] : memref<10112x128xf32, #tpu.memory_space<vmem_shared>> -> memref<10112x128xf32, #tpu.memory_space<vmem_shared>>
      tpu.wait_indirect_dma semaphore(%arg14 : memref<!tpu.dma_semaphore, #tpu.memory_space<semaphore_mem>>) src(%arg9 : memref<80x128xf32, #tpu.memory_space<vmem>>) dst(%dma_wait3A_121 : memref<10112x128xf32, #tpu.memory_space<vmem_shared>>)
      %add3A_122 = arith.constant 2 : i32
      %add3A_123 = arith.addi %mul3A_88, %add3A_122 : i32
      %mul3A_124 = arith.constant 80 : i32
      %mul3A_125 = arith.muli %add3A_123, %mul3A_124 : i32
      %multiple_of3A_126 = tpu.assume_multiple %mul3A_125, 80 : i32
      %dma_start3A_127 = tpu.memref_slice %arg7[%multiple_of3A_126] : memref<10000xi32, #tpu.memory_space<vmem>> -> memref<80xi32, #tpu.memory_space<vmem>>
      %dma_start3A_128 = arith.constant 0 : i32
      %dma_start3A_129 = arith.constant 0 : i32
      %dma_start3A_130 = tpu.memref_slice %arg2[%dma_start3A_128, %dma_start3A_129] : memref<10000x128xf32, #tpu.memory_space<hbm>> -> memref<10000x128xf32, #tpu.memory_space<hbm>>
      tpu.enqueue_indirect_dma source(%dma_start3A_130 : memref<10000x128xf32, #tpu.memory_space<hbm>>) target(%arg9 : memref<80x128xf32, #tpu.memory_space<vmem>>) offsets(%dma_start3A_127 : memref<80xi32, #tpu.memory_space<vmem>>) semaphore(%arg12 : memref<!tpu.dma_semaphore, #tpu.memory_space<semaphore_mem>>)
      %dma_wait3A_131 = arith.constant 0 : i32
      %dma_wait3A_132 = arith.constant 0 : i32
      %dma_wait3A_133 = tpu.memref_slice %arg8[%dma_wait3A_131, %dma_wait3A_132] : memref<125x80xi32, #tpu.memory_space<vmem>> -> memref<1x80xi32, #tpu.memory_space<vmem>>
      %dma_wait3A_134 = tpu.memref_squeeze %dma_wait3A_133 : memref<1x80xi32, #tpu.memory_space<vmem>> -> memref<80xi32, #tpu.memory_space<vmem>>
      %dma_wait3A_135 = arith.constant 0 : i32
      %dma_wait3A_136 = arith.constant 0 : i32
      %dma_wait3A_137 = tpu.memref_slice %arg11[%dma_wait3A_135, %dma_wait3A_136] : memref<10112x128xf32, #tpu.memory_space<vmem_shared>> -> memref<10112x128xf32, #tpu.memory_space<vmem_shared>>
      tpu.wait_indirect_dma semaphore(%arg15 : memref<!tpu.dma_semaphore, #tpu.memory_space<semaphore_mem>>) src(%arg10 : memref<80x128xf32, #tpu.memory_space<vmem>>) dst(%dma_wait3A_137 : memref<10112x128xf32, #tpu.memory_space<vmem_shared>>)
      %add3A_138 = arith.constant 3 : i32
      %add3A_139 = arith.addi %mul3A_88, %add3A_138 : i32
      %mul3A_140 = arith.constant 80 : i32
      %mul3A_141 = arith.muli %add3A_139, %mul3A_140 : i32
      %multiple_of3A_142 = tpu.assume_multiple %mul3A_141, 80 : i32
      %dma_start3A_143 = tpu.memref_slice %arg7[%multiple_of3A_142] : memref<10000xi32, #tpu.memory_space<vmem>> -> memref<80xi32, #tpu.memory_space<vmem>>
      %dma_start3A_144 = arith.constant 0 : i32
      %dma_start3A_145 = arith.constant 0 : i32
      %dma_start3A_146 = tpu.memref_slice %arg2[%dma_start3A_144, %dma_start3A_145] : memref<10000x128xf32, #tpu.memory_space<hbm>> -> memref<10000x128xf32, #tpu.memory_space<hbm>>
      tpu.enqueue_indirect_dma source(%dma_start3A_146 : memref<10000x128xf32, #tpu.memory_space<hbm>>) target(%arg10 : memref<80x128xf32, #tpu.memory_space<vmem>>) offsets(%dma_start3A_143 : memref<80xi32, #tpu.memory_space<vmem>>) semaphore(%arg13 : memref<!tpu.dma_semaphore, #tpu.memory_space<semaphore_mem>>)
    }
    %scan3A_17 = arith.constant 61 : i32
    %multiple_of3A_18 = arith.constant 0 : i32
    %multiple_of3A_19 = tpu.assume_multiple %multiple_of3A_18, 80 : i32
    %dma_wait3A = tpu.memref_slice %arg7[%multiple_of3A_19] : memref<10000xi32, #tpu.memory_space<vmem>> -> memref<80xi32, #tpu.memory_space<vmem>>
    %dma_wait3A_20 = arith.constant 0 : i32
    %dma_wait3A_21 = arith.constant 0 : i32
    %dma_wait3A_22 = tpu.memref_slice %arg2[%dma_wait3A_20, %dma_wait3A_21] : memref<10000x128xf32, #tpu.memory_space<hbm>> -> memref<10000x128xf32, #tpu.memory_space<hbm>>
    tpu.wait_indirect_dma semaphore(%arg12 : memref<!tpu.dma_semaphore, #tpu.memory_space<semaphore_mem>>) src(%dma_wait3A_22 : memref<10000x128xf32, #tpu.memory_space<hbm>>) dst(%arg9 : memref<80x128xf32, #tpu.memory_space<vmem>>)
    %dma_start3A_23 = arith.constant 122 : i32
    %dma_start3A_24 = arith.constant 0 : i32
    %dma_start3A_25 = tpu.memref_slice %arg8[%dma_start3A_23, %dma_start3A_24] : memref<125x80xi32, #tpu.memory_space<vmem>> -> memref<1x80xi32, #tpu.memory_space<vmem>>
    %dma_start3A_26 = tpu.memref_squeeze %dma_start3A_25 : memref<1x80xi32, #tpu.memory_space<vmem>> -> memref<80xi32, #tpu.memory_space<vmem>>
    %dma_start3A_27 = arith.constant 0 : i32
    %dma_start3A_28 = arith.constant 0 : i32
    %dma_start3A_29 = tpu.memref_slice %arg11[%dma_start3A_27, %dma_start3A_28] : memref<10112x128xf32, #tpu.memory_space<vmem_shared>> -> memref<10112x128xf32, #tpu.memory_space<vmem_shared>>
    tpu.enqueue_indirect_dma source(%arg9 : memref<80x128xf32, #tpu.memory_space<vmem>>) target(%dma_start3A_29 : memref<10112x128xf32, #tpu.memory_space<vmem_shared>>) offsets(%dma_start3A_26 : memref<80xi32, #tpu.memory_space<vmem>>) semaphore(%arg14 : memref<!tpu.dma_semaphore, #tpu.memory_space<semaphore_mem>>) {add = true}
    %multiple_of3A_30 = arith.constant 0 : i32
    %multiple_of3A_31 = tpu.assume_multiple %multiple_of3A_30, 80 : i32
    %dma_wait3A_32 = tpu.memref_slice %arg7[%multiple_of3A_31] : memref<10000xi32, #tpu.memory_space<vmem>> -> memref<80xi32, #tpu.memory_space<vmem>>
    %dma_wait3A_33 = arith.constant 0 : i32
    %dma_wait3A_34 = arith.constant 0 : i32
    %dma_wait3A_35 = tpu.memref_slice %arg2[%dma_wait3A_33, %dma_wait3A_34] : memref<10000x128xf32, #tpu.memory_space<hbm>> -> memref<10000x128xf32, #tpu.memory_space<hbm>>
    tpu.wait_indirect_dma semaphore(%arg13 : memref<!tpu.dma_semaphore, #tpu.memory_space<semaphore_mem>>) src(%dma_wait3A_35 : memref<10000x128xf32, #tpu.memory_space<hbm>>) dst(%arg10 : memref<80x128xf32, #tpu.memory_space<vmem>>)
    %dma_start3A_36 = arith.constant 123 : i32
    %dma_start3A_37 = arith.constant 0 : i32
    %dma_start3A_38 = tpu.memref_slice %arg8[%dma_start3A_36, %dma_start3A_37] : memref<125x80xi32, #tpu.memory_space<vmem>> -> memref<1x80xi32, #tpu.memory_space<vmem>>
    %dma_start3A_39 = tpu.memref_squeeze %dma_start3A_38 : memref<1x80xi32, #tpu.memory_space<vmem>> -> memref<80xi32, #tpu.memory_space<vmem>>
    %dma_start3A_40 = arith.constant 0 : i32
    %dma_start3A_41 = arith.constant 0 : i32
    %dma_start3A_42 = tpu.memref_slice %arg11[%dma_start3A_40, %dma_start3A_41] : memref<10112x128xf32, #tpu.memory_space<vmem_shared>> -> memref<10112x128xf32, #tpu.memory_space<vmem_shared>>
    tpu.enqueue_indirect_dma source(%arg10 : memref<80x128xf32, #tpu.memory_space<vmem>>) target(%dma_start3A_42 : memref<10112x128xf32, #tpu.memory_space<vmem_shared>>) offsets(%dma_start3A_39 : memref<80xi32, #tpu.memory_space<vmem>>) semaphore(%arg15 : memref<!tpu.dma_semaphore, #tpu.memory_space<semaphore_mem>>) {add = true}
    %dma_wait3A_43 = arith.constant 0 : i32
    %dma_wait3A_44 = arith.constant 0 : i32
    %dma_wait3A_45 = tpu.memref_slice %arg8[%dma_wait3A_43, %dma_wait3A_44] : memref<125x80xi32, #tpu.memory_space<vmem>> -> memref<1x80xi32, #tpu.memory_space<vmem>>
    %dma_wait3A_46 = tpu.memref_squeeze %dma_wait3A_45 : memref<1x80xi32, #tpu.memory_space<vmem>> -> memref<80xi32, #tpu.memory_space<vmem>>
    %dma_wait3A_47 = arith.constant 0 : i32
    %dma_wait3A_48 = arith.constant 0 : i32
    %dma_wait3A_49 = tpu.memref_slice %arg11[%dma_wait3A_47, %dma_wait3A_48] : memref<10112x128xf32, #tpu.memory_space<vmem_shared>> -> memref<10112x128xf32, #tpu.memory_space<vmem_shared>>
    tpu.wait_indirect_dma semaphore(%arg14 : memref<!tpu.dma_semaphore, #tpu.memory_space<semaphore_mem>>) src(%arg9 : memref<80x128xf32, #tpu.memory_space<vmem>>) dst(%dma_wait3A_49 : memref<10112x128xf32, #tpu.memory_space<vmem_shared>>)
    %multiple_of3A_50 = arith.constant 9920 : i32
    %multiple_of3A_51 = tpu.assume_multiple %multiple_of3A_50, 80 : i32
    %dma_start3A_52 = tpu.memref_slice %arg7[%multiple_of3A_51] : memref<10000xi32, #tpu.memory_space<vmem>> -> memref<80xi32, #tpu.memory_space<vmem>>
    %dma_start3A_53 = arith.constant 0 : i32
    %dma_start3A_54 = arith.constant 0 : i32
    %dma_start3A_55 = tpu.memref_slice %arg2[%dma_start3A_53, %dma_start3A_54] : memref<10000x128xf32, #tpu.memory_space<hbm>> -> memref<10000x128xf32, #tpu.memory_space<hbm>>
    tpu.enqueue_indirect_dma source(%dma_start3A_55 : memref<10000x128xf32, #tpu.memory_space<hbm>>) target(%arg9 : memref<80x128xf32, #tpu.memory_space<vmem>>) offsets(%dma_start3A_52 : memref<80xi32, #tpu.memory_space<vmem>>) semaphore(%arg12 : memref<!tpu.dma_semaphore, #tpu.memory_space<semaphore_mem>>)
    %multiple_of3A_56 = arith.constant 0 : i32
    %multiple_of3A_57 = tpu.assume_multiple %multiple_of3A_56, 80 : i32
    %dma_wait3A_58 = tpu.memref_slice %arg7[%multiple_of3A_57] : memref<10000xi32, #tpu.memory_space<vmem>> -> memref<80xi32, #tpu.memory_space<vmem>>
    %dma_wait3A_59 = arith.constant 0 : i32
    %dma_wait3A_60 = arith.constant 0 : i32
    %dma_wait3A_61 = tpu.memref_slice %arg2[%dma_wait3A_59, %dma_wait3A_60] : memref<10000x128xf32, #tpu.memory_space<hbm>> -> memref<10000x128xf32, #tpu.memory_space<hbm>>
    tpu.wait_indirect_dma semaphore(%arg12 : memref<!tpu.dma_semaphore, #tpu.memory_space<semaphore_mem>>) src(%dma_wait3A_61 : memref<10000x128xf32, #tpu.memory_space<hbm>>) dst(%arg9 : memref<80x128xf32, #tpu.memory_space<vmem>>)
    %dma_start3A_62 = arith.constant 124 : i32
    %dma_start3A_63 = arith.constant 0 : i32
    %dma_start3A_64 = tpu.memref_slice %arg8[%dma_start3A_62, %dma_start3A_63] : memref<125x80xi32, #tpu.memory_space<vmem>> -> memref<1x80xi32, #tpu.memory_space<vmem>>
    %dma_start3A_65 = tpu.memref_squeeze %dma_start3A_64 : memref<1x80xi32, #tpu.memory_space<vmem>> -> memref<80xi32, #tpu.memory_space<vmem>>
    %dma_start3A_66 = arith.constant 0 : i32
    %dma_start3A_67 = arith.constant 0 : i32
    %dma_start3A_68 = tpu.memref_slice %arg11[%dma_start3A_66, %dma_start3A_67] : memref<10112x128xf32, #tpu.memory_space<vmem_shared>> -> memref<10112x128xf32, #tpu.memory_space<vmem_shared>>
    tpu.enqueue_indirect_dma source(%arg9 : memref<80x128xf32, #tpu.memory_space<vmem>>) target(%dma_start3A_68 : memref<10112x128xf32, #tpu.memory_space<vmem_shared>>) offsets(%dma_start3A_65 : memref<80xi32, #tpu.memory_space<vmem>>) semaphore(%arg14 : memref<!tpu.dma_semaphore, #tpu.memory_space<semaphore_mem>>) {add = true}
    %dma_wait3A_69 = arith.constant 0 : i32
    %dma_wait3A_70 = arith.constant 0 : i32
    %dma_wait3A_71 = tpu.memref_slice %arg8[%dma_wait3A_69, %dma_wait3A_70] : memref<125x80xi32, #tpu.memory_space<vmem>> -> memref<1x80xi32, #tpu.memory_space<vmem>>
    %dma_wait3A_72 = tpu.memref_squeeze %dma_wait3A_71 : memref<1x80xi32, #tpu.memory_space<vmem>> -> memref<80xi32, #tpu.memory_space<vmem>>
    %dma_wait3A_73 = arith.constant 0 : i32
    %dma_wait3A_74 = arith.constant 0 : i32
    %dma_wait3A_75 = tpu.memref_slice %arg11[%dma_wait3A_73, %dma_wait3A_74] : memref<10112x128xf32, #tpu.memory_space<vmem_shared>> -> memref<10112x128xf32, #tpu.memory_space<vmem_shared>>
    tpu.wait_indirect_dma semaphore(%arg15 : memref<!tpu.dma_semaphore, #tpu.memory_space<semaphore_mem>>) src(%arg10 : memref<80x128xf32, #tpu.memory_space<vmem>>) dst(%dma_wait3A_75 : memref<10112x128xf32, #tpu.memory_space<vmem_shared>>)
    %dma_wait3A_76 = arith.constant 0 : i32
    %dma_wait3A_77 = arith.constant 0 : i32
    %dma_wait3A_78 = tpu.memref_slice %arg8[%dma_wait3A_76, %dma_wait3A_77] : memref<125x80xi32, #tpu.memory_space<vmem>> -> memref<1x80xi32, #tpu.memory_space<vmem>>
    %dma_wait3A_79 = tpu.memref_squeeze %dma_wait3A_78 : memref<1x80xi32, #tpu.memory_space<vmem>> -> memref<80xi32, #tpu.memory_space<vmem>>
    %dma_wait3A_80 = arith.constant 0 : i32
    %dma_wait3A_81 = arith.constant 0 : i32
    %dma_wait3A_82 = tpu.memref_slice %arg11[%dma_wait3A_80, %dma_wait3A_81] : memref<10112x128xf32, #tpu.memory_space<vmem_shared>> -> memref<10112x128xf32, #tpu.memory_space<vmem_shared>>
    tpu.wait_indirect_dma semaphore(%arg14 : memref<!tpu.dma_semaphore, #tpu.memory_space<semaphore_mem>>) src(%arg9 : memref<80x128xf32, #tpu.memory_space<vmem>>) dst(%dma_wait3A_82 : memref<10112x128xf32, #tpu.memory_space<vmem_shared>>)
    %barrier3A_83 = arith.constant 0 : index
    tpu.barrier barrier_id(%barrier3A_83)
    %mul3A_84 = arith.constant 632 : i32
    %mul3A_85 = arith.muli %arg1, %mul3A_84 : i32
    "tpu.region"() ({
      %run_scoped3A_86 = tpu.sem_alloc : memref<!tpu.dma_semaphore, #tpu.memory_space<semaphore_mem>>
      %dma_start3A_87 = arith.constant 0 : i32
      %dma_start3A_88 = arith.constant 0 : i32
      %dma_start3A_89 = tpu.memref_slice %arg6[%arg0, %dma_start3A_87, %dma_start3A_88] : memref<2x10112x128xf32, #tpu.memory_space<hbm>> -> memref<1x10112x128xf32, #tpu.memory_space<hbm>>
      %dma_start3A_90 = tpu.memref_squeeze %dma_start3A_89 : memref<1x10112x128xf32, #tpu.memory_space<hbm>> -> memref<10112x128xf32, #tpu.memory_space<hbm>>
      %dma_start3A_91 = arith.constant 0 : i32
      %dma_start3A_92 = tpu.memref_slice %dma_start3A_90[%mul3A_85, %dma_start3A_91] : memref<10112x128xf32, #tpu.memory_space<hbm>> -> memref<632x128xf32, #tpu.memory_space<hbm>>
      %dma_start3A_93 = arith.constant 0 : i32
      %dma_start3A_94 = tpu.memref_slice %arg11[%mul3A_85, %dma_start3A_93] : memref<10112x128xf32, #tpu.memory_space<vmem_shared>> -> memref<632x128xf32, #tpu.memory_space<vmem_shared>>
      tpu.enqueue_dma source(%dma_start3A_94 : memref<632x128xf32, #tpu.memory_space<vmem_shared>>) target(%dma_start3A_92 : memref<632x128xf32, #tpu.memory_space<hbm>>) target_semaphore(%run_scoped3A_86 : memref<!tpu.dma_semaphore, #tpu.memory_space<semaphore_mem>>)
      %dma_wait3A_95 = arith.constant 0 : i32
      %dma_wait3A_96 = arith.constant 0 : i32
      %dma_wait3A_97 = tpu.memref_slice %arg6[%arg0, %dma_wait3A_95, %dma_wait3A_96] : memref<2x10112x128xf32, #tpu.memory_space<hbm>> -> memref<1x10112x128xf32, #tpu.memory_space<hbm>>
      %dma_wait3A_98 = tpu.memref_squeeze %dma_wait3A_97 : memref<1x10112x128xf32, #tpu.memory_space<hbm>> -> memref<10112x128xf32, #tpu.memory_space<hbm>>
      %dma_wait3A_99 = arith.constant 0 : i32
      %dma_wait3A_100 = tpu.memref_slice %dma_wait3A_98[%mul3A_85, %dma_wait3A_99] : memref<10112x128xf32, #tpu.memory_space<hbm>> -> memref<632x128xf32, #tpu.memory_space<hbm>>
      %dma_wait3A_101 = arith.constant 0 : i32
      %dma_wait3A_102 = tpu.memref_slice %arg11[%mul3A_85, %dma_wait3A_101] : memref<10112x128xf32, #tpu.memory_space<vmem_shared>> -> memref<632x128xf32, #tpu.memory_space<vmem_shared>>
      tpu.wait_dma2 semaphore(%run_scoped3A_86 : memref<!tpu.dma_semaphore, #tpu.memory_space<semaphore_mem>>) src(%dma_wait3A_102 : memref<632x128xf32, #tpu.memory_space<vmem_shared>>) dst(%dma_wait3A_100 : memref<632x128xf32, #tpu.memory_space<hbm>>)
      tpu.yield
    }) : () -> ()
    return
  }
}

#map = affine_map<(d0, d1) -> (0, 0)>
#map1 = affine_map<(d0, d1) -> (0, 0, 0)>
module attributes {stable_mosaic.version = 14 : i64} {
  func.func @_sc_agg(%arg0: i32, %arg1: i32, %arg2: memref<10000x128xf32, #tpu.memory_space<hbm>>, %arg3: memref<32x1x10000xi32, #tpu.memory_space<hbm>>, %arg4: memref<32x125x80xi32, #tpu.memory_space<hbm>>, %arg5: memref<632x128xf32, #tpu.memory_space<hbm>>, %arg6: memref<2x10112x128xf32, #tpu.memory_space<hbm>>, %arg7: memref<10000xi32, #tpu.memory_space<vmem>>, %arg8: memref<125x80xi32, #tpu.memory_space<vmem>>, %arg9: memref<80x128xf32, #tpu.memory_space<vmem>>, %arg10: memref<80x128xf32, #tpu.memory_space<vmem>>, %arg11: memref<10112x128xf32, #tpu.memory_space<vmem_shared>>, %arg12: memref<!tpu.dma_semaphore, #tpu.memory_space<semaphore_mem>>, %arg13: memref<!tpu.dma_semaphore, #tpu.memory_space<semaphore_mem>>, %arg14: memref<!tpu.dma_semaphore, #tpu.memory_space<semaphore_mem>>, %arg15: memref<!tpu.dma_semaphore, #tpu.memory_space<semaphore_mem>>) attributes {dimension_semantics = [#tpu.dimension_semantics<core_parallel>, #tpu.dimension_semantics<subcore_parallel>], iteration_bounds = array<i64: 2, 16>, scalar_prefetch = 0 : i64, scratch_operands = 9 : i64, tpu.core_type = #tpu.core_type<sc_vector_subcore>, window_params = [{transform_indices = #map}, {transform_indices = #map1}, {transform_indices = #map1}, {transform_indices = #map}, {transform_indices = #map1}]} {
    %mul3A = arith.constant 2 : i32
    %mul3A_0 = arith.muli %arg1, %mul3A : i32
    %add3A = arith.addi %mul3A_0, %arg0 : i32
    %mul3A_1 = arith.constant 632 : i32
    %mul3A_2 = arith.muli %arg1, %mul3A_1 : i32
    "tpu.region"() ({
      %run_scoped3A_86 = tpu.sem_alloc : memref<!tpu.dma_semaphore, #tpu.memory_space<semaphore_mem>>
      %dma_start3A_87 = arith.constant 0 : i32
      %dma_start3A_88 = tpu.memref_slice %arg11[%mul3A_2, %dma_start3A_87] : memref<10112x128xf32, #tpu.memory_space<vmem_shared>> -> memref<632x128xf32, #tpu.memory_space<vmem_shared>>
      tpu.enqueue_dma source(%arg5 : memref<632x128xf32, #tpu.memory_space<hbm>>) target(%dma_start3A_88 : memref<632x128xf32, #tpu.memory_space<vmem_shared>>) target_semaphore(%run_scoped3A_86 : memref<!tpu.dma_semaphore, #tpu.memory_space<semaphore_mem>>)
      %dma_wait3A_89 = arith.constant 0 : i32
      %dma_wait3A_90 = tpu.memref_slice %arg11[%mul3A_2, %dma_wait3A_89] : memref<10112x128xf32, #tpu.memory_space<vmem_shared>> -> memref<632x128xf32, #tpu.memory_space<vmem_shared>>
      tpu.wait_dma2 semaphore(%run_scoped3A_86 : memref<!tpu.dma_semaphore, #tpu.memory_space<semaphore_mem>>) src(%arg5 : memref<632x128xf32, #tpu.memory_space<hbm>>) dst(%dma_wait3A_90 : memref<632x128xf32, #tpu.memory_space<vmem_shared>>)
      tpu.yield
    }) : () -> ()
    %run_scoped3A = arith.constant 0 : i32
    "tpu.region"() ({
      %run_scoped3A_86 = tpu.sem_alloc : memref<!tpu.dma_semaphore, #tpu.memory_space<semaphore_mem>>
      %dma_start3A_87 = arith.constant 0 : i32
      %dma_start3A_88 = tpu.memref_slice %arg3[%add3A, %run_scoped3A, %dma_start3A_87] : memref<32x1x10000xi32, #tpu.memory_space<hbm>> -> memref<1x1x10000xi32, #tpu.memory_space<hbm>>
      %dma_start3A_89 = tpu.memref_squeeze %dma_start3A_88 : memref<1x1x10000xi32, #tpu.memory_space<hbm>> -> memref<10000xi32, #tpu.memory_space<hbm>>
      %dma_start3A_90 = arith.constant 0 : i32
      %dma_start3A_91 = tpu.memref_slice %arg3[%add3A, %run_scoped3A, %dma_start3A_90] : memref<32x1x10000xi32, #tpu.memory_space<hbm>> -> memref<1x1x10000xi32, #tpu.memory_space<hbm>>
      %dma_start3A_92 = tpu.memref_squeeze %dma_start3A_91 : memref<1x1x10000xi32, #tpu.memory_space<hbm>> -> memref<10000xi32, #tpu.memory_space<hbm>>
      tpu.enqueue_dma source(%dma_start3A_92 : memref<10000xi32, #tpu.memory_space<hbm>>) target(%arg7 : memref<10000xi32, #tpu.memory_space<vmem>>) target_semaphore(%run_scoped3A_86 : memref<!tpu.dma_semaphore, #tpu.memory_space<semaphore_mem>>)
      %dma_wait3A_93 = arith.constant 0 : i32
      %dma_wait3A_94 = tpu.memref_slice %arg3[%add3A, %run_scoped3A, %dma_wait3A_93] : memref<32x1x10000xi32, #tpu.memory_space<hbm>> -> memref<1x1x10000xi32, #tpu.memory_space<hbm>>
      %dma_wait3A_95 = tpu.memref_squeeze %dma_wait3A_94 : memref<1x1x10000xi32, #tpu.memory_space<hbm>> -> memref<10000xi32, #tpu.memory_space<hbm>>
      %dma_wait3A_96 = arith.constant 0 : i32
      %dma_wait3A_97 = tpu.memref_slice %arg3[%add3A, %run_scoped3A, %dma_wait3A_96] : memref<32x1x10000xi32, #tpu.memory_space<hbm>> -> memref<1x1x10000xi32, #tpu.memory_space<hbm>>
      %dma_wait3A_98 = tpu.memref_squeeze %dma_wait3A_97 : memref<1x1x10000xi32, #tpu.memory_space<hbm>> -> memref<10000xi32, #tpu.memory_space<hbm>>
      tpu.wait_dma2 semaphore(%run_scoped3A_86 : memref<!tpu.dma_semaphore, #tpu.memory_space<semaphore_mem>>) src(%dma_wait3A_98 : memref<10000xi32, #tpu.memory_space<hbm>>) dst(%arg7 : memref<10000xi32, #tpu.memory_space<vmem>>)
      tpu.yield
    }) : () -> ()
    "tpu.region"() ({
      %run_scoped3A_86 = tpu.sem_alloc : memref<!tpu.dma_semaphore, #tpu.memory_space<semaphore_mem>>
      %dma_start3A_87 = arith.constant 0 : i32
      %dma_start3A_88 = arith.constant 0 : i32
      %dma_start3A_89 = tpu.memref_slice %arg4[%add3A, %dma_start3A_87, %dma_start3A_88] : memref<32x125x80xi32, #tpu.memory_space<hbm>> -> memref<1x125x80xi32, #tpu.memory_space<hbm>>
      %dma_start3A_90 = tpu.memref_squeeze %dma_start3A_89 : memref<1x125x80xi32, #tpu.memory_space<hbm>> -> memref<125x80xi32, #tpu.memory_space<hbm>>
      %dma_start3A_91 = arith.constant 0 : i32
      %dma_start3A_92 = arith.constant 0 : i32
      %dma_start3A_93 = tpu.memref_slice %arg4[%add3A, %dma_start3A_91, %dma_start3A_92] : memref<32x125x80xi32, #tpu.memory_space<hbm>> -> memref<1x125x80xi32, #tpu.memory_space<hbm>>
      %dma_start3A_94 = tpu.memref_squeeze %dma_start3A_93 : memref<1x125x80xi32, #tpu.memory_space<hbm>> -> memref<125x80xi32, #tpu.memory_space<hbm>>
      tpu.enqueue_dma source(%dma_start3A_94 : memref<125x80xi32, #tpu.memory_space<hbm>>) target(%arg8 : memref<125x80xi32, #tpu.memory_space<vmem>>) target_semaphore(%run_scoped3A_86 : memref<!tpu.dma_semaphore, #tpu.memory_space<semaphore_mem>>)
      %dma_wait3A_95 = arith.constant 0 : i32
      %dma_wait3A_96 = arith.constant 0 : i32
      %dma_wait3A_97 = tpu.memref_slice %arg4[%add3A, %dma_wait3A_95, %dma_wait3A_96] : memref<32x125x80xi32, #tpu.memory_space<hbm>> -> memref<1x125x80xi32, #tpu.memory_space<hbm>>
      %dma_wait3A_98 = tpu.memref_squeeze %dma_wait3A_97 : memref<1x125x80xi32, #tpu.memory_space<hbm>> -> memref<125x80xi32, #tpu.memory_space<hbm>>
      %dma_wait3A_99 = arith.constant 0 : i32
      %dma_wait3A_100 = arith.constant 0 : i32
      %dma_wait3A_101 = tpu.memref_slice %arg4[%add3A, %dma_wait3A_99, %dma_wait3A_100] : memref<32x125x80xi32, #tpu.memory_space<hbm>> -> memref<1x125x80xi32, #tpu.memory_space<hbm>>
      %dma_wait3A_102 = tpu.memref_squeeze %dma_wait3A_101 : memref<1x125x80xi32, #tpu.memory_space<hbm>> -> memref<125x80xi32, #tpu.memory_space<hbm>>
      tpu.wait_dma2 semaphore(%run_scoped3A_86 : memref<!tpu.dma_semaphore, #tpu.memory_space<semaphore_mem>>) src(%dma_wait3A_102 : memref<125x80xi32, #tpu.memory_space<hbm>>) dst(%arg8 : memref<125x80xi32, #tpu.memory_space<vmem>>)
      tpu.yield
    }) : () -> ()
    %barrier3A = arith.constant 0 : index
    tpu.barrier barrier_id(%barrier3A)
    %multiple_of3A = arith.constant 0 : i32
    %multiple_of3A_3 = tpu.assume_multiple %multiple_of3A, 80 : i32
    %dma_start3A = tpu.memref_slice %arg7[%multiple_of3A_3] : memref<10000xi32, #tpu.memory_space<vmem>> -> memref<80xi32, #tpu.memory_space<vmem>>
    %dma_start3A_4 = arith.constant 0 : i32
    %dma_start3A_5 = arith.constant 0 : i32
    %dma_start3A_6 = tpu.memref_slice %arg2[%dma_start3A_4, %dma_start3A_5] : memref<10000x128xf32, #tpu.memory_space<hbm>> -> memref<10000x128xf32, #tpu.memory_space<hbm>>
    tpu.enqueue_indirect_dma source(%dma_start3A_6 : memref<10000x128xf32, #tpu.memory_space<hbm>>) target(%arg9 : memref<80x128xf32, #tpu.memory_space<vmem>>) offsets(%dma_start3A : memref<80xi32, #tpu.memory_space<vmem>>) semaphore(%arg12 : memref<!tpu.dma_semaphore, #tpu.memory_space<semaphore_mem>>)
    %multiple_of3A_7 = arith.constant 80 : i32
    %multiple_of3A_8 = tpu.assume_multiple %multiple_of3A_7, 80 : i32
    %dma_start3A_9 = tpu.memref_slice %arg7[%multiple_of3A_8] : memref<10000xi32, #tpu.memory_space<vmem>> -> memref<80xi32, #tpu.memory_space<vmem>>
    %dma_start3A_10 = arith.constant 0 : i32
    %dma_start3A_11 = arith.constant 0 : i32
    %dma_start3A_12 = tpu.memref_slice %arg2[%dma_start3A_10, %dma_start3A_11] : memref<10000x128xf32, #tpu.memory_space<hbm>> -> memref<10000x128xf32, #tpu.memory_space<hbm>>
    tpu.enqueue_indirect_dma source(%dma_start3A_12 : memref<10000x128xf32, #tpu.memory_space<hbm>>) target(%arg10 : memref<80x128xf32, #tpu.memory_space<vmem>>) offsets(%dma_start3A_9 : memref<80xi32, #tpu.memory_space<vmem>>) semaphore(%arg13 : memref<!tpu.dma_semaphore, #tpu.memory_space<semaphore_mem>>)
    %scan3A = arith.constant 0 : i32
    %scan3A_13 = arith.constant 0 : i32
    %scan3A_14 = arith.constant 61 : i32
    %scan3A_15 = arith.addi %scan3A_13, %scan3A_14 : i32
    %scan3A_16 = arith.constant 1 : i32
    scf.for %scan3A_86 = %scan3A_13 to %scan3A_15 step %scan3A_16  : i32 {
      %mul3A_87 = arith.constant 2 : i32
      %mul3A_88 = arith.muli %mul3A_87, %scan3A_86 : i32
      %multiple_of3A_89 = arith.constant 0 : i32
      %multiple_of3A_90 = tpu.assume_multiple %multiple_of3A_89, 80 : i32
      %dma_wait3A_91 = tpu.memref_slice %arg7[%multiple_of3A_90] : memref<10000xi32, #tpu.memory_space<vmem>> -> memref<80xi32, #tpu.memory_space<vmem>>
      %dma_wait3A_92 = arith.constant 0 : i32
      %dma_wait3A_93 = arith.constant 0 : i32
      %dma_wait3A_94 = tpu.memref_slice %arg2[%dma_wait3A_92, %dma_wait3A_93] : memref<10000x128xf32, #tpu.memory_space<hbm>> -> memref<10000x128xf32, #tpu.memory_space<hbm>>
      tpu.wait_indirect_dma semaphore(%arg12 : memref<!tpu.dma_semaphore, #tpu.memory_space<semaphore_mem>>) src(%dma_wait3A_94 : memref<10000x128xf32, #tpu.memory_space<hbm>>) dst(%arg9 : memref<80x128xf32, #tpu.memory_space<vmem>>)
      %dma_start3A_95 = arith.constant 0 : i32
      %dma_start3A_96 = tpu.memref_slice %arg8[%mul3A_88, %dma_start3A_95] : memref<125x80xi32, #tpu.memory_space<vmem>> -> memref<1x80xi32, #tpu.memory_space<vmem>>
      %dma_start3A_97 = tpu.memref_squeeze %dma_start3A_96 : memref<1x80xi32, #tpu.memory_space<vmem>> -> memref<80xi32, #tpu.memory_space<vmem>>
      %dma_start3A_98 = arith.constant 0 : i32
      %dma_start3A_99 = arith.constant 0 : i32
      %dma_start3A_100 = tpu.memref_slice %arg11[%dma_start3A_98, %dma_start3A_99] : memref<10112x128xf32, #tpu.memory_space<vmem_shared>> -> memref<10112x128xf32, #tpu.memory_space<vmem_shared>>
      tpu.enqueue_indirect_dma source(%arg9 : memref<80x128xf32, #tpu.memory_space<vmem>>) target(%dma_start3A_100 : memref<10112x128xf32, #tpu.memory_space<vmem_shared>>) offsets(%dma_start3A_97 : memref<80xi32, #tpu.memory_space<vmem>>) semaphore(%arg14 : memref<!tpu.dma_semaphore, #tpu.memory_space<semaphore_mem>>) {add = true}
      %multiple_of3A_101 = arith.constant 0 : i32
      %multiple_of3A_102 = tpu.assume_multiple %multiple_of3A_101, 80 : i32
      %dma_wait3A_103 = tpu.memref_slice %arg7[%multiple_of3A_102] : memref<10000xi32, #tpu.memory_space<vmem>> -> memref<80xi32, #tpu.memory_space<vmem>>
      %dma_wait3A_104 = arith.constant 0 : i32
      %dma_wait3A_105 = arith.constant 0 : i32
      %dma_wait3A_106 = tpu.memref_slice %arg2[%dma_wait3A_104, %dma_wait3A_105] : memref<10000x128xf32, #tpu.memory_space<hbm>> -> memref<10000x128xf32, #tpu.memory_space<hbm>>
      tpu.wait_indirect_dma semaphore(%arg13 : memref<!tpu.dma_semaphore, #tpu.memory_space<semaphore_mem>>) src(%dma_wait3A_106 : memref<10000x128xf32, #tpu.memory_space<hbm>>) dst(%arg10 : memref<80x128xf32, #tpu.memory_space<vmem>>)
      %add3A_107 = arith.constant 1 : i32
      %add3A_108 = arith.addi %mul3A_88, %add3A_107 : i32
      %dma_start3A_109 = arith.constant 0 : i32
      %dma_start3A_110 = tpu.memref_slice %arg8[%add3A_108, %dma_start3A_109] : memref<125x80xi32, #tpu.memory_space<vmem>> -> memref<1x80xi32, #tpu.memory_space<vmem>>
      %dma_start3A_111 = tpu.memref_squeeze %dma_start3A_110 : memref<1x80xi32, #tpu.memory_space<vmem>> -> memref<80xi32, #tpu.memory_space<vmem>>
      %dma_start3A_112 = arith.constant 0 : i32
      %dma_start3A_113 = arith.constant 0 : i32
      %dma_start3A_114 = tpu.memref_slice %arg11[%dma_start3A_112, %dma_start3A_113] : memref<10112x128xf32, #tpu.memory_space<vmem_shared>> -> memref<10112x128xf32, #tpu.memory_space<vmem_shared>>
      tpu.enqueue_indirect_dma source(%arg10 : memref<80x128xf32, #tpu.memory_space<vmem>>) target(%dma_start3A_114 : memref<10112x128xf32, #tpu.memory_space<vmem_shared>>) offsets(%dma_start3A_111 : memref<80xi32, #tpu.memory_space<vmem>>) semaphore(%arg15 : memref<!tpu.dma_semaphore, #tpu.memory_space<semaphore_mem>>) {add = true}
      %dma_wait3A_115 = arith.constant 0 : i32
      %dma_wait3A_116 = arith.constant 0 : i32
      %dma_wait3A_117 = tpu.memref_slice %arg8[%dma_wait3A_115, %dma_wait3A_116] : memref<125x80xi32, #tpu.memory_space<vmem>> -> memref<1x80xi32, #tpu.memory_space<vmem>>
      %dma_wait3A_118 = tpu.memref_squeeze %dma_wait3A_117 : memref<1x80xi32, #tpu.memory_space<vmem>> -> memref<80xi32, #tpu.memory_space<vmem>>
      %dma_wait3A_119 = arith.constant 0 : i32
      %dma_wait3A_120 = arith.constant 0 : i32
      %dma_wait3A_121 = tpu.memref_slice %arg11[%dma_wait3A_119, %dma_wait3A_120] : memref<10112x128xf32, #tpu.memory_space<vmem_shared>> -> memref<10112x128xf32, #tpu.memory_space<vmem_shared>>
      tpu.wait_indirect_dma semaphore(%arg14 : memref<!tpu.dma_semaphore, #tpu.memory_space<semaphore_mem>>) src(%arg9 : memref<80x128xf32, #tpu.memory_space<vmem>>) dst(%dma_wait3A_121 : memref<10112x128xf32, #tpu.memory_space<vmem_shared>>)
      %add3A_122 = arith.constant 2 : i32
      %add3A_123 = arith.addi %mul3A_88, %add3A_122 : i32
      %mul3A_124 = arith.constant 80 : i32
      %mul3A_125 = arith.muli %add3A_123, %mul3A_124 : i32
      %multiple_of3A_126 = tpu.assume_multiple %mul3A_125, 80 : i32
      %dma_start3A_127 = tpu.memref_slice %arg7[%multiple_of3A_126] : memref<10000xi32, #tpu.memory_space<vmem>> -> memref<80xi32, #tpu.memory_space<vmem>>
      %dma_start3A_128 = arith.constant 0 : i32
      %dma_start3A_129 = arith.constant 0 : i32
      %dma_start3A_130 = tpu.memref_slice %arg2[%dma_start3A_128, %dma_start3A_129] : memref<10000x128xf32, #tpu.memory_space<hbm>> -> memref<10000x128xf32, #tpu.memory_space<hbm>>
      tpu.enqueue_indirect_dma source(%dma_start3A_130 : memref<10000x128xf32, #tpu.memory_space<hbm>>) target(%arg9 : memref<80x128xf32, #tpu.memory_space<vmem>>) offsets(%dma_start3A_127 : memref<80xi32, #tpu.memory_space<vmem>>) semaphore(%arg12 : memref<!tpu.dma_semaphore, #tpu.memory_space<semaphore_mem>>)
      %dma_wait3A_131 = arith.constant 0 : i32
      %dma_wait3A_132 = arith.constant 0 : i32
      %dma_wait3A_133 = tpu.memref_slice %arg8[%dma_wait3A_131, %dma_wait3A_132] : memref<125x80xi32, #tpu.memory_space<vmem>> -> memref<1x80xi32, #tpu.memory_space<vmem>>
      %dma_wait3A_134 = tpu.memref_squeeze %dma_wait3A_133 : memref<1x80xi32, #tpu.memory_space<vmem>> -> memref<80xi32, #tpu.memory_space<vmem>>
      %dma_wait3A_135 = arith.constant 0 : i32
      %dma_wait3A_136 = arith.constant 0 : i32
      %dma_wait3A_137 = tpu.memref_slice %arg11[%dma_wait3A_135, %dma_wait3A_136] : memref<10112x128xf32, #tpu.memory_space<vmem_shared>> -> memref<10112x128xf32, #tpu.memory_space<vmem_shared>>
      tpu.wait_indirect_dma semaphore(%arg15 : memref<!tpu.dma_semaphore, #tpu.memory_space<semaphore_mem>>) src(%arg10 : memref<80x128xf32, #tpu.memory_space<vmem>>) dst(%dma_wait3A_137 : memref<10112x128xf32, #tpu.memory_space<vmem_shared>>)
      %add3A_138 = arith.constant 3 : i32
      %add3A_139 = arith.addi %mul3A_88, %add3A_138 : i32
      %mul3A_140 = arith.constant 80 : i32
      %mul3A_141 = arith.muli %add3A_139, %mul3A_140 : i32
      %multiple_of3A_142 = tpu.assume_multiple %mul3A_141, 80 : i32
      %dma_start3A_143 = tpu.memref_slice %arg7[%multiple_of3A_142] : memref<10000xi32, #tpu.memory_space<vmem>> -> memref<80xi32, #tpu.memory_space<vmem>>
      %dma_start3A_144 = arith.constant 0 : i32
      %dma_start3A_145 = arith.constant 0 : i32
      %dma_start3A_146 = tpu.memref_slice %arg2[%dma_start3A_144, %dma_start3A_145] : memref<10000x128xf32, #tpu.memory_space<hbm>> -> memref<10000x128xf32, #tpu.memory_space<hbm>>
      tpu.enqueue_indirect_dma source(%dma_start3A_146 : memref<10000x128xf32, #tpu.memory_space<hbm>>) target(%arg10 : memref<80x128xf32, #tpu.memory_space<vmem>>) offsets(%dma_start3A_143 : memref<80xi32, #tpu.memory_space<vmem>>) semaphore(%arg13 : memref<!tpu.dma_semaphore, #tpu.memory_space<semaphore_mem>>)
    }
    %scan3A_17 = arith.constant 61 : i32
    %multiple_of3A_18 = arith.constant 0 : i32
    %multiple_of3A_19 = tpu.assume_multiple %multiple_of3A_18, 80 : i32
    %dma_wait3A = tpu.memref_slice %arg7[%multiple_of3A_19] : memref<10000xi32, #tpu.memory_space<vmem>> -> memref<80xi32, #tpu.memory_space<vmem>>
    %dma_wait3A_20 = arith.constant 0 : i32
    %dma_wait3A_21 = arith.constant 0 : i32
    %dma_wait3A_22 = tpu.memref_slice %arg2[%dma_wait3A_20, %dma_wait3A_21] : memref<10000x128xf32, #tpu.memory_space<hbm>> -> memref<10000x128xf32, #tpu.memory_space<hbm>>
    tpu.wait_indirect_dma semaphore(%arg12 : memref<!tpu.dma_semaphore, #tpu.memory_space<semaphore_mem>>) src(%dma_wait3A_22 : memref<10000x128xf32, #tpu.memory_space<hbm>>) dst(%arg9 : memref<80x128xf32, #tpu.memory_space<vmem>>)
    %dma_start3A_23 = arith.constant 122 : i32
    %dma_start3A_24 = arith.constant 0 : i32
    %dma_start3A_25 = tpu.memref_slice %arg8[%dma_start3A_23, %dma_start3A_24] : memref<125x80xi32, #tpu.memory_space<vmem>> -> memref<1x80xi32, #tpu.memory_space<vmem>>
    %dma_start3A_26 = tpu.memref_squeeze %dma_start3A_25 : memref<1x80xi32, #tpu.memory_space<vmem>> -> memref<80xi32, #tpu.memory_space<vmem>>
    %dma_start3A_27 = arith.constant 0 : i32
    %dma_start3A_28 = arith.constant 0 : i32
    %dma_start3A_29 = tpu.memref_slice %arg11[%dma_start3A_27, %dma_start3A_28] : memref<10112x128xf32, #tpu.memory_space<vmem_shared>> -> memref<10112x128xf32, #tpu.memory_space<vmem_shared>>
    tpu.enqueue_indirect_dma source(%arg9 : memref<80x128xf32, #tpu.memory_space<vmem>>) target(%dma_start3A_29 : memref<10112x128xf32, #tpu.memory_space<vmem_shared>>) offsets(%dma_start3A_26 : memref<80xi32, #tpu.memory_space<vmem>>) semaphore(%arg14 : memref<!tpu.dma_semaphore, #tpu.memory_space<semaphore_mem>>) {add = true}
    %multiple_of3A_30 = arith.constant 0 : i32
    %multiple_of3A_31 = tpu.assume_multiple %multiple_of3A_30, 80 : i32
    %dma_wait3A_32 = tpu.memref_slice %arg7[%multiple_of3A_31] : memref<10000xi32, #tpu.memory_space<vmem>> -> memref<80xi32, #tpu.memory_space<vmem>>
    %dma_wait3A_33 = arith.constant 0 : i32
    %dma_wait3A_34 = arith.constant 0 : i32
    %dma_wait3A_35 = tpu.memref_slice %arg2[%dma_wait3A_33, %dma_wait3A_34] : memref<10000x128xf32, #tpu.memory_space<hbm>> -> memref<10000x128xf32, #tpu.memory_space<hbm>>
    tpu.wait_indirect_dma semaphore(%arg13 : memref<!tpu.dma_semaphore, #tpu.memory_space<semaphore_mem>>) src(%dma_wait3A_35 : memref<10000x128xf32, #tpu.memory_space<hbm>>) dst(%arg10 : memref<80x128xf32, #tpu.memory_space<vmem>>)
    %dma_start3A_36 = arith.constant 123 : i32
    %dma_start3A_37 = arith.constant 0 : i32
    %dma_start3A_38 = tpu.memref_slice %arg8[%dma_start3A_36, %dma_start3A_37] : memref<125x80xi32, #tpu.memory_space<vmem>> -> memref<1x80xi32, #tpu.memory_space<vmem>>
    %dma_start3A_39 = tpu.memref_squeeze %dma_start3A_38 : memref<1x80xi32, #tpu.memory_space<vmem>> -> memref<80xi32, #tpu.memory_space<vmem>>
    %dma_start3A_40 = arith.constant 0 : i32
    %dma_start3A_41 = arith.constant 0 : i32
    %dma_start3A_42 = tpu.memref_slice %arg11[%dma_start3A_40, %dma_start3A_41] : memref<10112x128xf32, #tpu.memory_space<vmem_shared>> -> memref<10112x128xf32, #tpu.memory_space<vmem_shared>>
    tpu.enqueue_indirect_dma source(%arg10 : memref<80x128xf32, #tpu.memory_space<vmem>>) target(%dma_start3A_42 : memref<10112x128xf32, #tpu.memory_space<vmem_shared>>) offsets(%dma_start3A_39 : memref<80xi32, #tpu.memory_space<vmem>>) semaphore(%arg15 : memref<!tpu.dma_semaphore, #tpu.memory_space<semaphore_mem>>) {add = true}
    %dma_wait3A_43 = arith.constant 0 : i32
    %dma_wait3A_44 = arith.constant 0 : i32
    %dma_wait3A_45 = tpu.memref_slice %arg8[%dma_wait3A_43, %dma_wait3A_44] : memref<125x80xi32, #tpu.memory_space<vmem>> -> memref<1x80xi32, #tpu.memory_space<vmem>>
    %dma_wait3A_46 = tpu.memref_squeeze %dma_wait3A_45 : memref<1x80xi32, #tpu.memory_space<vmem>> -> memref<80xi32, #tpu.memory_space<vmem>>
    %dma_wait3A_47 = arith.constant 0 : i32
    %dma_wait3A_48 = arith.constant 0 : i32
    %dma_wait3A_49 = tpu.memref_slice %arg11[%dma_wait3A_47, %dma_wait3A_48] : memref<10112x128xf32, #tpu.memory_space<vmem_shared>> -> memref<10112x128xf32, #tpu.memory_space<vmem_shared>>
    tpu.wait_indirect_dma semaphore(%arg14 : memref<!tpu.dma_semaphore, #tpu.memory_space<semaphore_mem>>) src(%arg9 : memref<80x128xf32, #tpu.memory_space<vmem>>) dst(%dma_wait3A_49 : memref<10112x128xf32, #tpu.memory_space<vmem_shared>>)
    %multiple_of3A_50 = arith.constant 9920 : i32
    %multiple_of3A_51 = tpu.assume_multiple %multiple_of3A_50, 80 : i32
    %dma_start3A_52 = tpu.memref_slice %arg7[%multiple_of3A_51] : memref<10000xi32, #tpu.memory_space<vmem>> -> memref<80xi32, #tpu.memory_space<vmem>>
    %dma_start3A_53 = arith.constant 0 : i32
    %dma_start3A_54 = arith.constant 0 : i32
    %dma_start3A_55 = tpu.memref_slice %arg2[%dma_start3A_53, %dma_start3A_54] : memref<10000x128xf32, #tpu.memory_space<hbm>> -> memref<10000x128xf32, #tpu.memory_space<hbm>>
    tpu.enqueue_indirect_dma source(%dma_start3A_55 : memref<10000x128xf32, #tpu.memory_space<hbm>>) target(%arg9 : memref<80x128xf32, #tpu.memory_space<vmem>>) offsets(%dma_start3A_52 : memref<80xi32, #tpu.memory_space<vmem>>) semaphore(%arg12 : memref<!tpu.dma_semaphore, #tpu.memory_space<semaphore_mem>>)
    %multiple_of3A_56 = arith.constant 0 : i32
    %multiple_of3A_57 = tpu.assume_multiple %multiple_of3A_56, 80 : i32
    %dma_wait3A_58 = tpu.memref_slice %arg7[%multiple_of3A_57] : memref<10000xi32, #tpu.memory_space<vmem>> -> memref<80xi32, #tpu.memory_space<vmem>>
    %dma_wait3A_59 = arith.constant 0 : i32
    %dma_wait3A_60 = arith.constant 0 : i32
    %dma_wait3A_61 = tpu.memref_slice %arg2[%dma_wait3A_59, %dma_wait3A_60] : memref<10000x128xf32, #tpu.memory_space<hbm>> -> memref<10000x128xf32, #tpu.memory_space<hbm>>
    tpu.wait_indirect_dma semaphore(%arg12 : memref<!tpu.dma_semaphore, #tpu.memory_space<semaphore_mem>>) src(%dma_wait3A_61 : memref<10000x128xf32, #tpu.memory_space<hbm>>) dst(%arg9 : memref<80x128xf32, #tpu.memory_space<vmem>>)
    %dma_start3A_62 = arith.constant 124 : i32
    %dma_start3A_63 = arith.constant 0 : i32
    %dma_start3A_64 = tpu.memref_slice %arg8[%dma_start3A_62, %dma_start3A_63] : memref<125x80xi32, #tpu.memory_space<vmem>> -> memref<1x80xi32, #tpu.memory_space<vmem>>
    %dma_start3A_65 = tpu.memref_squeeze %dma_start3A_64 : memref<1x80xi32, #tpu.memory_space<vmem>> -> memref<80xi32, #tpu.memory_space<vmem>>
    %dma_start3A_66 = arith.constant 0 : i32
    %dma_start3A_67 = arith.constant 0 : i32
    %dma_start3A_68 = tpu.memref_slice %arg11[%dma_start3A_66, %dma_start3A_67] : memref<10112x128xf32, #tpu.memory_space<vmem_shared>> -> memref<10112x128xf32, #tpu.memory_space<vmem_shared>>
    tpu.enqueue_indirect_dma source(%arg9 : memref<80x128xf32, #tpu.memory_space<vmem>>) target(%dma_start3A_68 : memref<10112x128xf32, #tpu.memory_space<vmem_shared>>) offsets(%dma_start3A_65 : memref<80xi32, #tpu.memory_space<vmem>>) semaphore(%arg14 : memref<!tpu.dma_semaphore, #tpu.memory_space<semaphore_mem>>) {add = true}
    %dma_wait3A_69 = arith.constant 0 : i32
    %dma_wait3A_70 = arith.constant 0 : i32
    %dma_wait3A_71 = tpu.memref_slice %arg8[%dma_wait3A_69, %dma_wait3A_70] : memref<125x80xi32, #tpu.memory_space<vmem>> -> memref<1x80xi32, #tpu.memory_space<vmem>>
    %dma_wait3A_72 = tpu.memref_squeeze %dma_wait3A_71 : memref<1x80xi32, #tpu.memory_space<vmem>> -> memref<80xi32, #tpu.memory_space<vmem>>
    %dma_wait3A_73 = arith.constant 0 : i32
    %dma_wait3A_74 = arith.constant 0 : i32
    %dma_wait3A_75 = tpu.memref_slice %arg11[%dma_wait3A_73, %dma_wait3A_74] : memref<10112x128xf32, #tpu.memory_space<vmem_shared>> -> memref<10112x128xf32, #tpu.memory_space<vmem_shared>>
    tpu.wait_indirect_dma semaphore(%arg15 : memref<!tpu.dma_semaphore, #tpu.memory_space<semaphore_mem>>) src(%arg10 : memref<80x128xf32, #tpu.memory_space<vmem>>) dst(%dma_wait3A_75 : memref<10112x128xf32, #tpu.memory_space<vmem_shared>>)
    %dma_wait3A_76 = arith.constant 0 : i32
    %dma_wait3A_77 = arith.constant 0 : i32
    %dma_wait3A_78 = tpu.memref_slice %arg8[%dma_wait3A_76, %dma_wait3A_77] : memref<125x80xi32, #tpu.memory_space<vmem>> -> memref<1x80xi32, #tpu.memory_space<vmem>>
    %dma_wait3A_79 = tpu.memref_squeeze %dma_wait3A_78 : memref<1x80xi32, #tpu.memory_space<vmem>> -> memref<80xi32, #tpu.memory_space<vmem>>
    %dma_wait3A_80 = arith.constant 0 : i32
    %dma_wait3A_81 = arith.constant 0 : i32
    %dma_wait3A_82 = tpu.memref_slice %arg11[%dma_wait3A_80, %dma_wait3A_81] : memref<10112x128xf32, #tpu.memory_space<vmem_shared>> -> memref<10112x128xf32, #tpu.memory_space<vmem_shared>>
    tpu.wait_indirect_dma semaphore(%arg14 : memref<!tpu.dma_semaphore, #tpu.memory_space<semaphore_mem>>) src(%arg9 : memref<80x128xf32, #tpu.memory_space<vmem>>) dst(%dma_wait3A_82 : memref<10112x128xf32, #tpu.memory_space<vmem_shared>>)
    %barrier3A_83 = arith.constant 0 : index
    tpu.barrier barrier_id(%barrier3A_83)
    %mul3A_84 = arith.constant 632 : i32
    %mul3A_85 = arith.muli %arg1, %mul3A_84 : i32
    "tpu.region"() ({
      %run_scoped3A_86 = tpu.sem_alloc : memref<!tpu.dma_semaphore, #tpu.memory_space<semaphore_mem>>
      %dma_start3A_87 = arith.constant 0 : i32
      %dma_start3A_88 = arith.constant 0 : i32
      %dma_start3A_89 = tpu.memref_slice %arg6[%arg0, %dma_start3A_87, %dma_start3A_88] : memref<2x10112x128xf32, #tpu.memory_space<hbm>> -> memref<1x10112x128xf32, #tpu.memory_space<hbm>>
      %dma_start3A_90 = tpu.memref_squeeze %dma_start3A_89 : memref<1x10112x128xf32, #tpu.memory_space<hbm>> -> memref<10112x128xf32, #tpu.memory_space<hbm>>
      %dma_start3A_91 = arith.constant 0 : i32
      %dma_start3A_92 = tpu.memref_slice %dma_start3A_90[%mul3A_85, %dma_start3A_91] : memref<10112x128xf32, #tpu.memory_space<hbm>> -> memref<632x128xf32, #tpu.memory_space<hbm>>
      %dma_start3A_93 = arith.constant 0 : i32
      %dma_start3A_94 = tpu.memref_slice %arg11[%mul3A_85, %dma_start3A_93] : memref<10112x128xf32, #tpu.memory_space<vmem_shared>> -> memref<632x128xf32, #tpu.memory_space<vmem_shared>>
      tpu.enqueue_dma source(%dma_start3A_94 : memref<632x128xf32, #tpu.memory_space<vmem_shared>>) target(%dma_start3A_92 : memref<632x128xf32, #tpu.memory_space<hbm>>) target_semaphore(%run_scoped3A_86 : memref<!tpu.dma_semaphore, #tpu.memory_space<semaphore_mem>>)
      %dma_wait3A_95 = arith.constant 0 : i32
      %dma_wait3A_96 = arith.constant 0 : i32
      %dma_wait3A_97 = tpu.memref_slice %arg6[%arg0, %dma_wait3A_95, %dma_wait3A_96] : memref<2x10112x128xf32, #tpu.memory_space<hbm>> -> memref<1x10112x128xf32, #tpu.memory_space<hbm>>
      %dma_wait3A_98 = tpu.memref_squeeze %dma_wait3A_97 : memref<1x10112x128xf32, #tpu.memory_space<hbm>> -> memref<10112x128xf32, #tpu.memory_space<hbm>>
      %dma_wait3A_99 = arith.constant 0 : i32
      %dma_wait3A_100 = tpu.memref_slice %dma_wait3A_98[%mul3A_85, %dma_wait3A_99] : memref<10112x128xf32, #tpu.memory_space<hbm>> -> memref<632x128xf32, #tpu.memory_space<hbm>>
      %dma_wait3A_101 = arith.constant 0 : i32
      %dma_wait3A_102 = tpu.memref_slice %arg11[%mul3A_85, %dma_wait3A_101] : memref<10112x128xf32, #tpu.memory_space<vmem_shared>> -> memref<632x128xf32, #tpu.memory_space<vmem_shared>>
      tpu.wait_dma2 semaphore(%run_scoped3A_86 : memref<!tpu.dma_semaphore, #tpu.memory_space<semaphore_mem>>) src(%dma_wait3A_102 : memref<632x128xf32, #tpu.memory_space<vmem_shared>>) dst(%dma_wait3A_100 : memref<632x128xf32, #tpu.memory_space<hbm>>)
      tpu.yield
    }) : () -> ()
    return
  }
}

module attributes {stable_mosaic.version = 14 : i64} {
  func.func @_tc_body(%arg0: i32, %arg1: memref<2x2000x128xf32, #tpu.memory_space<vmem>>, %arg2: memref<2x2000x128xf32, #tpu.memory_space<vmem>>, %arg3: memref<2000x128xf32, #tpu.memory_space<vmem>>, %arg4: memref<128x128xf32, #tpu.memory_space<vmem>>, %arg5: memref<2000x128xf32, #tpu.memory_space<vmem>>) attributes {dimension_semantics = [#tpu.dimension_semantics<arbitrary>], iteration_bounds = array<i64: 5>, scalar_prefetch = 0 : i64, scratch_operands = 0 : i64, tpu.core_type = #tpu.core_type<tc>, window_params = [{transform_indices = @transform_0, window_bounds = array<i64: 2, 2000, 128>}, {transform_indices = @transform_1, window_bounds = array<i64: 2, 2000, 128>}, {transform_indices = @transform_2, window_bounds = array<i64: 2000, 128>}, {pipeline_mode = #tpu.pipeline_mode<synchronous>, transform_indices = @transform_3, window_bounds = array<i64: 128, 128>}, {transform_indices = @transform_4, window_bounds = array<i64: 2000, 128>}]} {
    %get3A = arith.constant 0 : index
    %get3A_0 = arith.constant 0 : index
    %get3A_1 = arith.constant 0 : index
    %get3A_2 = vector.load %arg1[%get3A, %get3A_0, %get3A_1] : memref<2x2000x128xf32, #tpu.memory_space<vmem>>, vector<1x2000x128xf32>
    %get3A_3 = vector.shape_cast %get3A_2 : vector<1x2000x128xf32> to vector<2000x128xf32>
    %get3A_4 = arith.constant 1 : index
    %get3A_5 = arith.constant 0 : index
    %get3A_6 = arith.constant 0 : index
    %get3A_7 = vector.load %arg1[%get3A_4, %get3A_5, %get3A_6] : memref<2x2000x128xf32, #tpu.memory_space<vmem>>, vector<1x2000x128xf32>
    %get3A_8 = vector.shape_cast %get3A_7 : vector<1x2000x128xf32> to vector<2000x128xf32>
    %add3A = arith.addf %get3A_3, %get3A_8 : vector<2000x128xf32>
    %get3A_9 = arith.constant 0 : index
    %get3A_10 = arith.constant 0 : index
    %get3A_11 = arith.constant 0 : index
    %get3A_12 = vector.load %arg2[%get3A_9, %get3A_10, %get3A_11] : memref<2x2000x128xf32, #tpu.memory_space<vmem>>, vector<1x2000x1xf32>
    %get3A_13 = vector.shape_cast %get3A_12 : vector<1x2000x1xf32> to vector<2000x1xf32>
    %get3A_14 = arith.constant 1 : index
    %get3A_15 = arith.constant 0 : index
    %get3A_16 = arith.constant 0 : index
    %get3A_17 = vector.load %arg2[%get3A_14, %get3A_15, %get3A_16] : memref<2x2000x128xf32, #tpu.memory_space<vmem>>, vector<1x2000x1xf32>
    %get3A_18 = vector.shape_cast %get3A_17 : vector<1x2000x1xf32> to vector<2000x1xf32>
    %add3A_19 = arith.addf %get3A_13, %get3A_18 : vector<2000x1xf32>
    %max3A = arith.constant 1.000000e+00 : f32
    %max3A_20 = vector.broadcast %max3A : f32 to vector<2000x1xf32>
    %max3A_21 = arith.maximumf %add3A_19, %max3A_20 : vector<2000x1xf32>
    %div3A = arith.constant 1.000000e+00 : f32
    %div3A_22 = vector.broadcast %div3A : f32 to vector<2000x1xf32>
    %div3A_23 = arith.divf %div3A_22, %max3A_21 : vector<2000x1xf32>
    %get3A_24 = arith.constant 0 : index
    %get3A_25 = arith.constant 0 : index
    %get3A_26 = vector.load %arg4[%get3A_24, %get3A_25] : memref<128x128xf32, #tpu.memory_space<vmem>>, vector<128x128xf32>
    %dot_general3A = arith.constant dense<0.000000e+00> : vector<2000x128xf32>
    %dot_general3A_27 = tpu.matmul %add3A, %get3A_26, %dot_general3A {dimension_numbers = #tpu.dot_dimension_numbers<[1], [1], [0], [0], [0, 0, 1, 0], [], []>, transpose_lhs_hint = false} : vector<2000x128xf32>, vector<128x128xf32>, vector<2000x128xf32> -> vector<2000x128xf32>
    %mul3A = vector.broadcast %div3A_23 : vector<2000x1xf32> to vector<2000x128xf32>
    %mul3A_28 = arith.mulf %dot_general3A_27, %mul3A : vector<2000x128xf32>
    %get3A_29 = arith.constant 0 : index
    %get3A_30 = arith.constant 0 : index
    %get3A_31 = vector.load %arg3[%get3A_29, %get3A_30] : memref<2000x128xf32, #tpu.memory_space<vmem>>, vector<2000x128xf32>
    %add3A_32 = arith.addf %mul3A_28, %get3A_31 : vector<2000x128xf32>
    %swap3A = arith.constant 0 : index
    %swap3A_33 = arith.constant 0 : index
    %swap3A_34 = vector.load %arg5[%swap3A, %swap3A_33] : memref<2000x128xf32, #tpu.memory_space<vmem>>, vector<2000x128xf32>
    tpu.vector_store %arg5[%swap3A, %swap3A_33], %add3A_32 {strides = array<i32>} : memref<2000x128xf32, #tpu.memory_space<vmem>>, vector<2000x128xf32>,
    return
  }
  func.func @transform_0(%arg0: i32) -> (i32, i32, i32) {
    %c0_i32 = arith.constant 0 : i32
    %c0_i32_0 = arith.constant 0 : i32
    %c0_i32_1 = arith.constant 0 : i32
    return %c0_i32, %arg0, %c0_i32_0 : i32, i32, i32
  }
  func.func @transform_1(%arg0: i32) -> (i32, i32, i32) {
    %c0_i32 = arith.constant 0 : i32
    %c0_i32_0 = arith.constant 0 : i32
    %c0_i32_1 = arith.constant 0 : i32
    return %c0_i32, %arg0, %c0_i32_0 : i32, i32, i32
  }
  func.func @transform_2(%arg0: i32) -> (i32, i32) {
    %c0_i32 = arith.constant 0 : i32
    %c0_i32_0 = arith.constant 0 : i32
    return %arg0, %c0_i32 : i32, i32
  }
  func.func @transform_3(%arg0: i32) -> (i32, i32) {
    %c0_i32 = arith.constant 0 : i32
    %c0_i32_0 = arith.constant 0 : i32
    %c0_i32_1 = arith.constant 0 : i32
    return %c0_i32, %c0_i32_0 : i32, i32
  }
  func.func @transform_4(%arg0: i32) -> (i32, i32) {
    %c0_i32 = arith.constant 0 : i32
    %c0_i32_0 = arith.constant 0 : i32
    return %arg0, %c0_i32 : i32, i32
  }
}

module attributes {stable_mosaic.version = 14 : i64} {
  func.func @_tc_body_final(%arg0: i32, %arg1: memref<2x2000x128xf32, #tpu.memory_space<vmem>>, %arg2: memref<2x2000x128xf32, #tpu.memory_space<vmem>>, %arg3: memref<2000x128xf32, #tpu.memory_space<vmem>>, %arg4: memref<128x128xf32, #tpu.memory_space<vmem>>, %arg5: memref<2000x128xf32, #tpu.memory_space<vmem>>, %arg6: memref<2000x128xf32, #tpu.memory_space<vmem>>) attributes {dimension_semantics = [#tpu.dimension_semantics<arbitrary>], iteration_bounds = array<i64: 5>, scalar_prefetch = 0 : i64, scratch_operands = 0 : i64, tpu.core_type = #tpu.core_type<tc>, window_params = [{transform_indices = @transform_0, window_bounds = array<i64: 2, 2000, 128>}, {transform_indices = @transform_1, window_bounds = array<i64: 2, 2000, 128>}, {transform_indices = @transform_2, window_bounds = array<i64: 2000, 128>}, {pipeline_mode = #tpu.pipeline_mode<synchronous>, transform_indices = @transform_3, window_bounds = array<i64: 128, 128>}, {transform_indices = @transform_4, window_bounds = array<i64: 2000, 128>}, {transform_indices = @transform_5, window_bounds = array<i64: 2000, 128>}]} {
    %get3A = arith.constant 0 : index
    %get3A_0 = arith.constant 0 : index
    %get3A_1 = arith.constant 0 : index
    %get3A_2 = vector.load %arg1[%get3A, %get3A_0, %get3A_1] : memref<2x2000x128xf32, #tpu.memory_space<vmem>>, vector<1x2000x128xf32>
    %get3A_3 = vector.shape_cast %get3A_2 : vector<1x2000x128xf32> to vector<2000x128xf32>
    %get3A_4 = arith.constant 1 : index
    %get3A_5 = arith.constant 0 : index
    %get3A_6 = arith.constant 0 : index
    %get3A_7 = vector.load %arg1[%get3A_4, %get3A_5, %get3A_6] : memref<2x2000x128xf32, #tpu.memory_space<vmem>>, vector<1x2000x128xf32>
    %get3A_8 = vector.shape_cast %get3A_7 : vector<1x2000x128xf32> to vector<2000x128xf32>
    %add3A = arith.addf %get3A_3, %get3A_8 : vector<2000x128xf32>
    %get3A_9 = arith.constant 0 : index
    %get3A_10 = arith.constant 0 : index
    %get3A_11 = arith.constant 0 : index
    %get3A_12 = vector.load %arg2[%get3A_9, %get3A_10, %get3A_11] : memref<2x2000x128xf32, #tpu.memory_space<vmem>>, vector<1x2000x1xf32>
    %get3A_13 = vector.shape_cast %get3A_12 : vector<1x2000x1xf32> to vector<2000x1xf32>
    %get3A_14 = arith.constant 1 : index
    %get3A_15 = arith.constant 0 : index
    %get3A_16 = arith.constant 0 : index
    %get3A_17 = vector.load %arg2[%get3A_14, %get3A_15, %get3A_16] : memref<2x2000x128xf32, #tpu.memory_space<vmem>>, vector<1x2000x1xf32>
    %get3A_18 = vector.shape_cast %get3A_17 : vector<1x2000x1xf32> to vector<2000x1xf32>
    %add3A_19 = arith.addf %get3A_13, %get3A_18 : vector<2000x1xf32>
    %max3A = arith.constant 1.000000e+00 : f32
    %max3A_20 = vector.broadcast %max3A : f32 to vector<2000x1xf32>
    %max3A_21 = arith.maximumf %add3A_19, %max3A_20 : vector<2000x1xf32>
    %div3A = arith.constant 1.000000e+00 : f32
    %div3A_22 = vector.broadcast %div3A : f32 to vector<2000x1xf32>
    %div3A_23 = arith.divf %div3A_22, %max3A_21 : vector<2000x1xf32>
    %get3A_24 = arith.constant 0 : index
    %get3A_25 = arith.constant 0 : index
    %get3A_26 = vector.load %arg4[%get3A_24, %get3A_25] : memref<128x128xf32, #tpu.memory_space<vmem>>, vector<128x128xf32>
    %dot_general3A = arith.constant dense<0.000000e+00> : vector<2000x128xf32>
    %dot_general3A_27 = tpu.matmul %add3A, %get3A_26, %dot_general3A {dimension_numbers = #tpu.dot_dimension_numbers<[1], [1], [0], [0], [0, 0, 1, 0], [], []>, transpose_lhs_hint = false} : vector<2000x128xf32>, vector<128x128xf32>, vector<2000x128xf32> -> vector<2000x128xf32>
    %mul3A = vector.broadcast %div3A_23 : vector<2000x1xf32> to vector<2000x128xf32>
    %mul3A_28 = arith.mulf %dot_general3A_27, %mul3A : vector<2000x128xf32>
    %get3A_29 = arith.constant 0 : index
    %get3A_30 = arith.constant 0 : index
    %get3A_31 = vector.load %arg3[%get3A_29, %get3A_30] : memref<2000x128xf32, #tpu.memory_space<vmem>>, vector<2000x128xf32>
    %add3A_32 = arith.addf %mul3A_28, %get3A_31 : vector<2000x128xf32>
    %get3A_33 = arith.constant 0 : index
    %get3A_34 = arith.constant 0 : index
    %get3A_35 = vector.load %arg5[%get3A_33, %get3A_34] : memref<2000x128xf32, #tpu.memory_space<vmem>>, vector<2000x128xf32>
    %add3A_36 = arith.addf %add3A_32, %get3A_35 : vector<2000x128xf32>
    %swap3A = arith.constant 0 : index
    %swap3A_37 = arith.constant 0 : index
    %swap3A_38 = vector.load %arg6[%swap3A, %swap3A_37] : memref<2000x128xf32, #tpu.memory_space<vmem>>, vector<2000x128xf32>
    tpu.vector_store %arg6[%swap3A, %swap3A_37], %add3A_36 {strides = array<i32>} : memref<2000x128xf32, #tpu.memory_space<vmem>>, vector<2000x128xf32>,
    return
  }
  func.func @transform_0(%arg0: i32) -> (i32, i32, i32) {
    %c0_i32 = arith.constant 0 : i32
    %c0_i32_0 = arith.constant 0 : i32
    %c0_i32_1 = arith.constant 0 : i32
    return %c0_i32, %arg0, %c0_i32_0 : i32, i32, i32
  }
  func.func @transform_1(%arg0: i32) -> (i32, i32, i32) {
    %c0_i32 = arith.constant 0 : i32
    %c0_i32_0 = arith.constant 0 : i32
    %c0_i32_1 = arith.constant 0 : i32
    return %c0_i32, %arg0, %c0_i32_0 : i32, i32, i32
  }
  func.func @transform_2(%arg0: i32) -> (i32, i32) {
    %c0_i32 = arith.constant 0 : i32
    %c0_i32_0 = arith.constant 0 : i32
    return %arg0, %c0_i32 : i32, i32
  }
  func.func @transform_3(%arg0: i32) -> (i32, i32) {
    %c0_i32 = arith.constant 0 : i32
    %c0_i32_0 = arith.constant 0 : i32
    %c0_i32_1 = arith.constant 0 : i32
    return %c0_i32, %c0_i32_0 : i32, i32
  }
  func.func @transform_4(%arg0: i32) -> (i32, i32) {
    %c0_i32 = arith.constant 0 : i32
    %c0_i32_0 = arith.constant 0 : i32
    return %arg0, %c0_i32 : i32, i32
  }
  func.func @transform_5(%arg0: i32) -> (i32, i32) {
    %c0_i32 = arith.constant 0 : i32
    %c0_i32_0 = arith.constant 0 : i32
    return %arg0, %c0_i32 : i32, i32
  }
}

</mosaic_0001>

<sc_bundles>
// kernel: kernel.12.cloned.1.call-start
scs
__scs_entry_jumppad:
0x0: {  	(pc) =	sbr.rel $0x88, $3  }
0x1: {  	(tag) =	ssettag $0x0;
	lr =	simm.s32 $0x1  }
0x2: {  	[smem:$0x3F9C] =	sst lr;
	_ =	strace $0xD0000000  }
0x3: {  	_ = 	snop  }
0x4: {  	_ = 	snop  }
0x5: {  	_ = 	snop  }
0x6: {  	_ = 	snop  }
0x7: {  	_ = 	snop  }
__scs_overlays_trampoline_lowered:
0x8: {  	[smem:$0x3FAB] =	sst s0  }
0x9: {  	[smem:$0x3FAC] =	sst s1  }
0xa: {  	[smem:$0x3FAD] =	sst s2  }
0xb: {  	[smem:$0x3FAE] =	sst s3  }
0xc: {  	[smem:$0x3FAF] =	sst s4  }
0xd: {  	[smem:$0x3FB0] =	sst s5  }
0xe: {  	[smem:$0x3FB1] =	sst s6  }
0xf: {  	[smem:$0x3FB2] =	sst s7  }
0x10: {  	[smem:$0x3FB3] =	sst s8  }
0x11: {  	[smem:$0x3FB4] =	sst s9;
	s0 =	simm.s32 @!p0 $0x0  }
0x12: {  	s1 =	sld [smem:$0x3F9A];
	s0 =	simm.s32 @p0 $0x1  }
0x13: {  	[smem:$0x3FB5] =	sst s0;
	s0 =	simm.s32 @!p1 $0x0  }
0x14: {  	s2 =	sld [smem:$0x3F99];
	s0 =	simm.s32 @p1 $0x1  }
0x15: {  	[smem:$0x3FB6] =	sst s0;
	s0 =	simm.s32 @!p2 $0x0  }
0x16: {  	s3 =	sld [smem:$0x3FDB];
	s0 =	simm.s32 @p2 $0x1  }
0x17: {  	s4 =	simm.s32 $0x1BF5;
	[smem:$0x3FB8] =	sst s0  }
0x18: {  	s0 =	sld [smem:$0x3F9B];
	_ =	swait.ge [sflag:s4], $0x0  }
0x19: {  	s7 =	sld [smem:$0x3F9C]  }
0x1a: {  	s8 =	sadd.s32 $0xFFFFE003, lr  }
0x1b: {  	s9 =	sadd.s32 $0xFFFFFEF7, lr;
	s5 =	simm.s32 $0xFFFFFFFF;
	p2 =	slt.u32 s8, $0xFFFFF086  }
0x1c: {  	p1 =	slt.u32 s9, $0xF7A;
	s5 =	simm.s32 @!p2 $0x0  }
0x1d: {  	s5 =	simm.s32 @p1 $0x1;
	p0 =	seq.s32 s7, s2  }
0x1e: {  	s7 =	smul.u32 @!p0 $0xF7A, s2;
	p2 =	seq.s32 @!p0 s5, $0x0  }
0x1f: {  	s9 =	smul.u32 $0xF7A, s1;
	s8 =	simm.s32 @!p0 $0x1BF5;
	p2 =	por !p2, p0  }
0x20: {  	[sflag:s8] =	ssyncset.s32 @!p0 $0xFFFFF086;
	s6 =	sadd.s32 @!p0 s3, s7;
	s7 =	simm.s32 @!p0 $0x108  }
0x21: {  	s3 =	sadd.s32 s3, s9;
	s6 =	sadd.s32 @!p0 $0x88, s6;
	s7 =	simm.s32 @p2 $0x1082  }
0x22: {  	[simem:s7], [sflag:s8] =	dma.local @!p0 [hbm:s6], $0xF7A  }
0x23: {  	s9 =	sor.u32 $0xD0000000, s2;
	s6 =	simm.s32 $0x108;
	_ =	swait.ge @!p0 [sflag:s8], $0x0  }
0x24: {  	s3 =	sadd.s32 $0x88, s3;
	s6 =	simm.s32 @!p1 $0x1082;
	[sflag:s4] =	ssyncset.s32 $0xFFFFF086  }
0x25: {  	[simem:s6], [sflag:s4] =	dma.local [hbm:s3], $0xF7A  }
0x26: {  	[smem:$0x3F9C] =	sst s1;
	(tag) =	ssettag s2;
	_ =	strace s9  }
0x27: {  	s1 =	sld [smem:$0x3FAC]  }
0x28: {  	s2 =	sld [smem:$0x3FAD]  }
0x29: {  	s4 =	sld [smem:$0x3FAF]  }
0x2a: {  	p0 =	seq.s32 s5, $0x0;
	s5 =	sld [smem:$0x3FB0]  }
0x2b: {  	s6 =	sld [smem:$0x3FB1]  }
0x2c: {  	s7 =	sld [smem:$0x3FB2]  }
0x2d: {  	s3 =	simm.s32 $0x108;
	s8 =	sld [smem:$0x3FB3]  }
0x2e: {  	s3 =	simm.s32 @!p0 $0x1082;
	s9 =	sld [smem:$0x3FB4]  }
0x2f: {  	lr =	sadd.s32 s0, s3;
	s0 =	sld [smem:$0x3FAB]  }
0x30: {  	s3 =	sld [smem:$0x3FAE]  }
0x31: {  	[smem:$0x3FB7] =	sst s10  }
0x32: {  	s10 =	sld [smem:$0x3FB5];
	_ =	sdelay $0x3  }
0x33: {  	p0 =	seq.s32 s10, $0x1;
	s10 =	sld [smem:$0x3FB7];
	_ =	sdelay $0x3  }
0x34: {  	[smem:$0x3FB7] =	sst s10  }
0x35: {  	s10 =	sld [smem:$0x3FB6];
	_ =	sdelay $0x3  }
0x36: {  	p1 =	seq.s32 s10, $0x1;
	s10 =	sld [smem:$0x3FB7];
	_ =	sdelay $0x3  }
0x37: {  	[smem:$0x3FB7] =	sst s10  }
0x38: {  	s10 =	sld [smem:$0x3FB8]  }
0x39: {  	_ = 	snop;
	(pc) =	sbr.ind lr, $3  }
0x3a: {  	_ = 	snop  }
0x3b: {  	_ = 	snop  }
0x3c: {  	p2 =	seq.s32 s10, $0x1;
	s10 =	sld [smem:$0x3FB7]  }
0x3d: {  	_ =	shalt  }
0x3e: {  	_ =	shalt  }
0x3f: {  	_ =	shalt  }
0x40: {  	_ =	shalt  }
0x41: {  	_ =	shalt  }
0x42: {  	_ =	shalt  }
0x43: {  	_ =	shalt  }
0x44: {  	_ =	shalt  }
0x45: {  	_ =	shalt  }
0x46: {  	_ =	shalt  }
0x47: {  	_ =	shalt  }
0x48: {  	_ =	shalt  }
0x49: {  	_ =	shalt  }
0x4a: {  	_ =	shalt  }
0x4b: {  	_ =	shalt  }
0x4c: {  	_ =	shalt  }
0x4d: {  	_ =	shalt  }
0x4e: {  	_ =	shalt  }
0x4f: {  	_ =	shalt  }
0x50: {  	_ =	shalt  }
0x51: {  	_ =	shalt  }
0x52: {  	_ =	shalt  }
0x53: {  	_ =	shalt  }
0x54: {  	_ =	shalt  }
0x55: {  	_ =	shalt  }
0x56: {  	_ =	shalt  }
0x57: {  	_ =	shalt  }
0x58: {  	_ =	shalt  }
0x59: {  	_ =	shalt  }
0x5a: {  	_ =	shalt  }
0x5b: {  	_ =	shalt  }
0x5c: {  	_ =	shalt  }
0x5d: {  	_ =	shalt  }
0x5e: {  	_ =	shalt  }
0x5f: {  	_ =	shalt  }
0x60: {  	_ =	shalt  }
0x61: {  	_ =	shalt  }
0x62: {  	_ =	shalt  }
0x63: {  	_ =	shalt  }
0x64: {  	_ =	shalt  }
0x65: {  	_ =	shalt  }
0x66: {  	_ =	shalt  }
0x67: {  	_ =	shalt  }
0x68: {  	_ =	shalt  }
0x69: {  	_ =	shalt  }
0x6a: {  	_ =	shalt  }
0x6b: {  	_ =	shalt  }
0x6c: {  	_ =	shalt  }
0x6d: {  	_ =	shalt  }
0x6e: {  	_ =	shalt  }
0x6f: {  	_ =	shalt  }
0x70: {  	_ =	shalt  }
0x71: {  	_ =	shalt  }
0x72: {  	_ =	shalt  }
0x73: {  	_ =	shalt  }
0x74: {  	_ =	shalt  }
0x75: {  	_ =	shalt  }
0x76: {  	_ =	shalt  }
0x77: {  	_ =	shalt  }
0x78: {  	_ =	shalt  }
0x79: {  	_ =	shalt  }
0x7a: {  	_ =	shalt  }
0x7b: {  	_ =	shalt  }
0x7c: {  	_ =	shalt  }
0x7d: {  	_ =	shalt  }
0x7e: {  	_ =	shalt  }
0x7f: {  	_ =	shalt  }
0x80: {  	_ =	shalt  }
0x81: {  	_ =	shalt  }
0x82: {  	_ =	shalt  }
0x83: {  	_ =	shalt  }
0x84: {  	_ =	shalt  }
0x85: {  	_ =	shalt  }
0x86: {  	_ =	shalt  }
0x87: {  	_ =	shalt  }
.Lfunc_end0:
.L_simem_size_0:
called_computation.1_lowered:
.L_overlay_start_0:
0x88: {  	s2 =	sld [smem:$0x3FD9]  }
0x89: {  	s3 =	sld [smem:$0x3FFE];
	_ =	sdelay $0x1  }
0x8a: {  	s1 =	srdreg.scid  }
0x8b: {  	s0 =	sand.u32 $0x1, s1  }
0x8c: {  	s17 =	sshll.u32 s0, $0xA;
	s2 =	sadd.s32 s3, s2  }
0x8d: {  	s2 =	sadd.s32 s2, s17  }
0x8e: {  	[smem:$0x3FC3] =	sst s2  }
0x8f: {  	_ = 	snop  }
0x90: {  	s2 =	sld [smem:$0x3FC9];
	(tm) =	ssettm $0x1  }
0x91: {  	s18 =	sld [smem:$0x3FFB];
	_ =	sdelay $0x3  }
0x92: {  	_ =	strace s18  }
0x93: {  	s3 =	sld [smem:$0x3FFC];
	_ =	sdelay $0x3  }
0x94: {  	_ =	strace s3  }
0x95: {  	s3 =	sld [smem:$0x3FFD];
	_ =	sdelay $0x3  }
0x96: {  	_ =	strace s3  }
0x97: {  	_ =	strace $0x8FFFFFFF  }
0x98: {  	s19 =	sld [smem:$0x3FDB];
	_ =	sdelay $0x1  }
0x99: {  	s4 =	simm.s32 $_scs_section_size  }
0x9a: {  	s5 =	simm.s32 $_size__tile_overlayer_lowered;
	s6 =	simm.s32 $_tile_overlayer_lowered  }
0x9b: {  	s22 =	simm.s32 $0x1BFF;
	s21 =	sshll.u32 s6, $0x1;
	s3 =	sadd.s32 s4, s19  }
0x9c: {  	s7 =	simm.s32 $0x0;
	s20 =	sshll.u32 s5, $0x1;
	s5 =	sadd.s32 s21, s3  }
0x9d: {  	[timem:s7], [sflag:s22] =	dma.local [hbm:s5], s20  }
0x9e: {  	_ =	swait.ge [sflag:s22], s20  }
0x9f: {  	s4 =	ssub.s32 $0x0, s20;
	[sflag:s22] =	ssyncset.done $0x0  }
0xa0: {  	[sflag:s22] =	ssyncadd.s32 s4;
	_ =	sdelay $0x1  }
0xa1: {  	s23 =	simm.s32 $0x1B8B  }
0xa2: {  	_ =	swait.ge [sflag:s23], $0x1  }
0xa3: {  	[sflag:s23] =	ssyncset.done $0x0  }
0xa4: {  	s25 =	simm.s32 $0x1B8E;
	s24 =	sld [smem:$0x3FFE];
	[sflag:s23] =	ssyncadd.s32 $0xFFFFFFFF  }
0xa5: {  	s26 =	simm.s32 $execute0_lowered;
	[smem:$0x3FD2] =	sst s25  }
0xa6: {  	s5 =	sshll.u32 s26, $0x1;
	_ =	strace $0x80000046;
	[dreg:$0x1] =	wrdreg $0xFFFFFFFF  }
0xa7: {  	s28 =	simm.s32 $_size_execute0_lowered;
	s3 =	sadd.s32 s3, s5;
	[dreg:$0x0] =	wrdreg $0x0  }
0xa8: {  	s5 =	sshll.u32 s28, $0x1;
	[dreg:$0x2] =	wrdreg s3  }
0xa9: {  	[dreg:$0x3] =	wrdreg s5  }
0xaa: {  	[dreg:$0x4] =	wrdreg $0xC0  }
0xab: {  	_ =	task [dreg:s7], $0x5FFFF  }
0xac: {  	[dreg:$0x1] =	wrdreg $0xFFFFFFFF  }
0xad: {  	[dreg:$0x0] =	wrdreg $0x60  }
0xae: {  	[dreg:$0x2] =	wrdreg s2  }
0xaf: {  	[dreg:$0x3] =	wrdreg s24  }
0xb0: {  	[dreg:$0x4] =	wrdreg $0xB7800  }
0xb1: {  	[dreg:$0x5] =	wrdreg $0xA  }
0xb2: {  	_ =	task.clear_ibuf [dreg:s7], $0x6FFFF;
	_ =	strace $0x90000046  }
0xb3: {  	s29 =	simm.s32 $0xA;
	_ =	strace $0x80000048  }
0xb4: {  	_ =	swait.ge [sflag:s29], $0x1  }
0xb5: {  	[sflag:s29] =	ssyncadd.s32 $0xFFFFFFFF  }
0xb6: {  	_ =	strace $0x90000048  }
0xb7: {  	_ =	sfence  }
0xb8: {  	s30 =	sld [smem:$0x0];
	_ =	sdelay $0x2  }
0xb9: {  	s31 =	sshll.u32 s1, $0xD;
	s1 =	sshrl.u32 s1, $0x2  }
0xba: {  	s3 =	sand.u32 $0x4000, s31;
	s1 =	sadd.s32 s1, s30  }
0xbb: {  	s0 =	sor.u32 s3, s0;
	s1 =	sshll.u32 s1, $0x11  }
0xbc: {  	s0 =	sor.u32 s1, s0  }
0xbd: {  	s0 =	sadd.s32 $0x8F2B, s0  }
0xbe: {  	[sflag:s0] =	ssyncadd.remote.s32 $0x1  }
0xbf: {  	_ =	sfence.sel $0xFFFF  }
0xc0: {  	[dreg:$0x0] =	wrdreg $0xFFFFFFFF;
	(pc) =	sbr.abs _section_cstart, $3  }
0xc1: {  	[dreg:$0x1] =	wrdreg $0xFFFFFFFF  }
0xc2: {  	_ =	task.clear_ibuf [dreg:s7], $0x2FFFF;
	_ =	strace $0x9FFFFFFF  }
0xc3: {  	(tm) =	ssettm $0x7FFFFFFF  }
tec
execute0_lowered:
.L_overlay_start_1:
0x0: {  	(tag) =	ssettag $0x1  }
0x1: {  	s1 =	rddreg [dreg:$0x0]  }
0x2: {  	s6 =	rddreg [dreg:$0x1];
	s2 =	srdreg.scid  }
0x3: {  	s0 =	stileid.u32;
	s3 =	rddreg [dreg:$0x2];
	s4 =	simm.s32 $0x0  }
0x4: {  	s14 =	simm.s32 $0x6780;
	s15 =	simm.s32 $0x8F80;
	s16 =	simm.s32 $0x1  }
0x5: {  	s17 =	simm.s32 $0x2;
	s18 =	simm.s32 $0x3;
	s19 =	simm.s32 $0x4  }
0x6: {  	s20 =	simm.s32 $0x6480;
	s21 =	simm.s32 $0x6500;
	s22 =	simm.s32 $0x26C0  }
0x7: {  	s23 =	simm.s32 $0x6580;
	s7 =	sand.u32 $0x1, s2;
	s2 =	rddreg [dreg:$0x3]  }
0x8: {  	s5 =	sshll.u32 s0, $0x1;
	[smem:$0x7FF] =	sst s4;
	s11 =	smul.u32 $0x4F000, s0  }
0x9: {  	s12 =	sshll.u32 s0, $0x6;
	s25 =	smul.u32 $0x2780, s0;
	s5 =	sor.u32 s7, s5  }
0xa: {  	_ =	strace $0x80000047;
	s9 =	smul.u32 $0x27800, s7;
	s31 =	ssub.s32 $0x2, s7  }
0xb: {  	s8 =	smul.u32 $0x4F0, s5;
	s5 =	sshll.u32 s5, $0xB;
	s7 =	sshrl.u32 s31, $0x1  }
0xc: {  	s11 =	sshrl.u32 s11, $0x2;
	s10 =	sadd.s32 s5, s6;
	s5 =	sadd.s32 $0x1C200, s6  }
0xd: {  	s9 =	sadd.s32 s9, s6;
	s13 =	ssub.s32 s31, s7;
	s11 =	sadd.s32 s11, s3  }
0xe: {  	s8 =	sadd.s32 s8, s6;
	s6 =	sor.u32 $0x1C05, s12;
	s24 =	sadd.s32 $0x1EA00, s9  }
0xf: {  	s9 =	smax.u32 s13, $0x1;
	s12 =	simm.s32 $0x2780;
	s13 =	simm.s32 $0x50  }
0x10: {  	s7 =	sadd.s32 $0x12400, s8;
	s8 =	sadd.s32 $0x2400, s10;
	s10 =	sshrl.u32 s11, $0x3  }
0x11: {  	s11 =	simm.s32 $0x5;
	s24 =	sadd.s32 s25, s24;
	s25 =	simm.s32 $0x0  }
.LBB2_1:
0x12: {  	[spmem:s10], [sflag:s6] =	dma.local [hbm:s5], $0x2780  }
0x13: {  	_ =	swait.ge [sflag:s11], $0x2780  }
0x14: {  	[sflag:s11] =	ssyncset.done $0x0  }
0x15: {  	[sflag:s11] =	ssyncadd.s32 $0xFFFFD880  }
0x16: {  	[tilespmem:s4], [sflag:$0x5] =	stream.linear.gather [hbm4b:s7+s4], $0x2780, $0x38;
	[tilespmem:$0x1F380] =	vst v63  }
0x17: {  	_ =	swait.ge [sflag:s11], $0x2780  }
0x18: {  	[sflag:s11] =	ssyncset.done $0x0  }
0x19: {  	[sflag:s11] =	ssyncadd.s32 $0xFFFFD880  }
0x1a: {  	[tilespmem:s12], [sflag:$0x5] =	stream.linear.gather [hbm4b:s8+s4], $0x3E80, $0x38;
	[tilespmem:$0x1F380] =	vst v63  }
0x1b: {  	_ =	swait.ge [sflag:s11], $0x3E80  }
0x1c: {  	[sflag:s11] =	ssyncset.done $0x0  }
0x1d: {  	[sflag:s11] =	ssyncadd.s32 $0xFFFFC180  }
0x1e: {  	[bflag:$0x0] =	sbarrier.arrive $0xFFFF  }
0x1f: {  	[tilespmem:s14], [sflag:$0x1] =	stream.indirect.gather [hbm4b:s1+s13], $0x80, s4, s13, $0xb8;
	[tilespmem:$0x1F380] =	vst v63  }
0x20: {  	_ = 	snop  }
0x21: {  	[tilespmem:s15], [sflag:$0x2] =	stream.indirect.gather [hbm4b:s1+s13], $0x80, s13, s13, $0xb8;
	[tilespmem:$0x1F380] =	vst v63  }
0x22: {  	_ =	swait.ge [sflag:s16], $0x2800  }
0x23: {  	[sflag:s16] =	ssyncset.done $0x0  }
0x24: {  	s26 =	simm.s32 $0x2780;
	[sflag:s16] =	ssyncadd.s32 $0xFFFFD800  }
0x25: {  	[spmem:s3] =	stream.indirect.scatter.add.f32 [tilespmem:s14], [sflag:$0x3], $0x80, s26, s13, $0xb8;
	[tilespmem:$0x1F380] =	vst v63  }
0x26: {  	_ =	swait.ge [sflag:s17], $0x2800  }
0x27: {  	[sflag:s17] =	ssyncset.done $0x0  }
0x28: {  	s30 =	simm.s32 $0x2800;
	[sflag:s17] =	ssyncadd.s32 $0xFFFFD800  }
0x29: {  	[spmem:s3] =	stream.indirect.scatter.add.f32 [tilespmem:s15], [sflag:$0x4], $0x80, s30, s13, $0xb8;
	[tilespmem:$0x1F380] =	vst v63  }
0x2a: {  	_ =	swait.ge [sflag:s18], $0x2800  }
0x2b: {  	[sflag:s18] =	ssyncset.done $0x0  }
0x2c: {  	s31 =	simm.s32 $0xA0;
	[sflag:s18] =	ssyncadd.s32 $0xFFFFD800  }
0x2d: {  	[tilespmem:s14], [sflag:$0x1] =	stream.indirect.gather [hbm4b:s1+s13], $0x80, s31, s13, $0xb8;
	[tilespmem:$0x1F380] =	vst v63  }
0x2e: {  	_ =	swait.ge [sflag:s19], $0x2800  }
0x2f: {  	s29 =	simm.s32 $0xF0;
	[sflag:s19] =	ssyncset.done $0x0  }
0x30: {  	s28 =	simm.s32 $0x140;
	s26 =	simm.s32 $0x400;
	[sflag:s19] =	ssyncadd.s32 $0xFFFFD800  }
.LBB2_2:
0x31: {  	[tilespmem:s15], [sflag:$0x2] =	stream.indirect.gather [hbm4b:s1+s13], $0x80, s29, s13, $0xb8;
	[tilespmem:$0x1F380] =	vst v63  }
0x32: {  	s29 =	smov.u32 s26  }
0x33: {  	p0 =	sne.s32 s26, $0xF000;
	s26 =	sadd.s32 $0x400, s26;
	_ =	swait.ge [sflag:s16], $0x2800  }
0x34: {  	s29 =	sshra.s32 s29, $0x2;
	[sflag:s16] =	ssyncset.done $0x0  }
0x35: {  	s30 =	sadd.s32 $0x2780, s29;
	[sflag:s16] =	ssyncadd.s32 $0xFFFFD800  }
0x36: {  	[spmem:s3] =	stream.indirect.scatter.add.f32 [tilespmem:s14], [sflag:$0x3], $0x80, s30, s13, $0xb8;
	[tilespmem:$0x1F380] =	vst v63  }
0x37: {  	_ =	swait.ge [sflag:s17], $0x2800  }
0x38: {  	[sflag:s17] =	ssyncset.done $0x0  }
0x39: {  	s29 =	sadd.s32 $0x2800, s29;
	[sflag:s17] =	ssyncadd.s32 $0xFFFFD800  }
0x3a: {  	[spmem:s3] =	stream.indirect.scatter.add.f32 [tilespmem:s15], [sflag:$0x4], $0x80, s29, s13, $0xb8;
	[tilespmem:$0x1F380] =	vst v63  }
0x3b: {  	_ =	swait.ge [sflag:s18], $0x2800  }
0x3c: {  	[sflag:s18] =	ssyncset.done $0x0  }
.Ltmp0:
0x3d: {  	[sflag:s18] =	ssyncadd.s32 $0xFFFFD800;
	(pc) =	sbr.rel @p0 .LBB2_2-.Ltmp0, $4  }
0x3e: {  	[tilespmem:s14], [sflag:$0x1] =	stream.indirect.gather [hbm4b:s1+s13], $0x80, s28, s13, $0xb8;
	[tilespmem:$0x1F380] =	vst v63  }
0x3f: {  	_ =	swait.ge [sflag:s19], $0x2800  }
0x40: {  	[sflag:s19] =	ssyncset.done $0x0  }
0x41: {  	s29 =	sadd.s32 $0x50, s28;
	s28 =	sadd.s32 $0xA0, s28;
	[sflag:s19] =	ssyncadd.s32 $0xFFFFD800  }
0x42: {  	[tilespmem:s15], [sflag:$0x2] =	stream.indirect.gather [hbm4b:s1+s13], $0x80, s29, s13, $0xb8;
	[tilespmem:$0x1F380] =	vst v63  }
0x43: {  	_ =	swait.ge [sflag:s16], $0x2800  }
0x44: {  	[sflag:s16] =	ssyncset.done $0x0  }
0x45: {  	[sflag:s16] =	ssyncadd.s32 $0xFFFFD800  }
0x46: {  	[spmem:s3] =	stream.indirect.scatter.add.f32 [tilespmem:s14], [sflag:$0x3], $0x80, s20, s13, $0xb8;
	[tilespmem:$0x1F380] =	vst v63  }
0x47: {  	_ =	swait.ge [sflag:s17], $0x2800  }
0x48: {  	[sflag:s17] =	ssyncset.done $0x0  }
0x49: {  	[sflag:s17] =	ssyncadd.s32 $0xFFFFD800  }
0x4a: {  	[spmem:s3] =	stream.indirect.scatter.add.f32 [tilespmem:s15], [sflag:$0x4], $0x80, s21, s13, $0xb8;
	[tilespmem:$0x1F380] =	vst v63  }
0x4b: {  	_ =	swait.ge [sflag:s18], $0x2800  }
0x4c: {  	[sflag:s18] =	ssyncset.done $0x0  }
0x4d: {  	[sflag:s18] =	ssyncadd.s32 $0xFFFFD800  }
0x4e: {  	[tilespmem:s14], [sflag:$0x1] =	stream.indirect.gather [hbm4b:s1+s13], $0x80, s22, s13, $0xb8;
	[tilespmem:$0x1F380] =	vst v63  }
0x4f: {  	_ =	swait.ge [sflag:s16], $0x2800  }
0x50: {  	[sflag:s16] =	ssyncset.done $0x0  }
0x51: {  	[sflag:s16] =	ssyncadd.s32 $0xFFFFD800  }
0x52: {  	[spmem:s3] =	stream.indirect.scatter.add.f32 [tilespmem:s14], [sflag:$0x3], $0x80, s23, s13, $0xb8;
	[tilespmem:$0x1F380] =	vst v63  }
0x53: {  	_ =	swait.ge [sflag:s19], $0x2800  }
0x54: {  	[sflag:s19] =	ssyncset.done $0x0  }
0x55: {  	[sflag:s19] =	ssyncadd.s32 $0xFFFFD800  }
0x56: {  	_ =	swait.ge [sflag:s18], $0x2800  }
0x57: {  	s25 =	sadd.s32 $0x1, s25;
	[sflag:s18] =	ssyncset.done $0x0  }
0x58: {  	p0 =	sne.s32 s25, s9;
	[sflag:s18] =	ssyncadd.s32 $0xFFFFD800  }
.Ltmp1:
0x59: {  	[bflag:$0x0] =	sbarrier.arrive $0xFFFF;
	(pc) =	sbr.rel @p0 .LBB2_1-.Ltmp1, $4  }
0x5a: {  	[hbm:s24], [sflag:s6] =	dma.local [spmem:s10], $0x2780  }
0x5b: {  	_ =	swait.ge [sflag:s11], $0x2780  }
0x5c: {  	[sflag:s11] =	ssyncset.done $0x0  }
0x5d: {  	[sflag:s11] =	ssyncadd.s32 $0xFFFFD880  }
0x5e: {  	_ =	sfence.sel $0x180000  }
0x5f: {  	[bflag:$0x0] =	sbarrier.arrive $0xFFFF  }
0x60: {  	p0 =	sne.s32 s0, $0x0;
	_ =	strace $0x90000047  }
0x61: {  	s0 =	sadd.s32 @!p0 $0x100000, s2;
	[bflag:$0x2] =	sbarrier.arrive $0xFFFF  }
0x62: {  	[sflag:s0] =	ssyncadd.tile.s32 @!p0 $0x1;
	_ =	shalt  }
.Lfunc_end2:
_tile_overlayer_lowered:
.L_overlay_start_2:
0x63: {  	(tag) =	ssettag $0x2  }
0x64: {  	s0 =	rddreg [dreg:$0x0];
	s2 =	stileid.u32  }
0x65: {  	s1 =	rddreg [dreg:$0x1];
	p0 =	sne.s32 s2, $0x0  }
0x66: {  	s3 =	rddreg [dreg:$0x2];
	[bflag:$0x3] =	sbarrier.arrive $0xFFFF;
	s2 =	simm.s32 @!p0 $0x1C05  }
0x67: {  	[timem:s3], [sflag:s2] =	dma.local @!p0 [hbm:s0], s1  }
0x68: {  	s0 =	simm.s32 @!p0 $0x5  }
0x69: {  	_ =	swait.ge @!p0 [sflag:s0], s1  }
0x6a: {  	s1 =	ssub.s32 @!p0 $0x0, s1;
	[sflag:s0] =	ssyncset.done @!p0 $0x0  }
0x6b: {  	[sflag:s0] =	ssyncadd.s32 @!p0 s1  }
0x6c: {  	[bflag:$0x3] =	sbarrier.arrive $0xFFFF  }
0x6d: {  	_ =	shalt  }

// kernel: kernel.15.cloned.1.call-start
scs
__scs_entry_jumppad:
0x0: {  	(pc) =	sbr.rel $0x88, $3  }
0x1: {  	(tag) =	ssettag $0x0;
	lr =	simm.s32 $0x1  }
0x2: {  	[smem:$0x3F9C] =	sst lr;
	_ =	strace $0xD0000000  }
0x3: {  	_ = 	snop  }
0x4: {  	_ = 	snop  }
0x5: {  	_ = 	snop  }
0x6: {  	_ = 	snop  }
0x7: {  	_ = 	snop  }
__scs_overlays_trampoline_lowered:
0x8: {  	[smem:$0x3FAB] =	sst s0  }
0x9: {  	[smem:$0x3FAC] =	sst s1  }
0xa: {  	[smem:$0x3FAD] =	sst s2  }
0xb: {  	[smem:$0x3FAE] =	sst s3  }
0xc: {  	[smem:$0x3FAF] =	sst s4  }
0xd: {  	[smem:$0x3FB0] =	sst s5  }
0xe: {  	[smem:$0x3FB1] =	sst s6  }
0xf: {  	[smem:$0x3FB2] =	sst s7  }
0x10: {  	[smem:$0x3FB3] =	sst s8  }
0x11: {  	[smem:$0x3FB4] =	sst s9;
	s0 =	simm.s32 @!p0 $0x0  }
0x12: {  	s1 =	sld [smem:$0x3F9A];
	s0 =	simm.s32 @p0 $0x1  }
0x13: {  	[smem:$0x3FB5] =	sst s0;
	s0 =	simm.s32 @!p1 $0x0  }
0x14: {  	s2 =	sld [smem:$0x3F99];
	s0 =	simm.s32 @p1 $0x1  }
0x15: {  	[smem:$0x3FB6] =	sst s0;
	s0 =	simm.s32 @!p2 $0x0  }
0x16: {  	s3 =	sld [smem:$0x3FDB];
	s0 =	simm.s32 @p2 $0x1  }
0x17: {  	s4 =	simm.s32 $0x1BF5;
	[smem:$0x3FB8] =	sst s0  }
0x18: {  	s0 =	sld [smem:$0x3F9B];
	_ =	swait.ge [sflag:s4], $0x0  }
0x19: {  	s7 =	sld [smem:$0x3F9C]  }
0x1a: {  	s8 =	sadd.s32 $0xFFFFE003, lr  }
0x1b: {  	s9 =	sadd.s32 $0xFFFFFEF7, lr;
	s5 =	simm.s32 $0xFFFFFFFF;
	p2 =	slt.u32 s8, $0xFFFFF086  }
0x1c: {  	p1 =	slt.u32 s9, $0xF7A;
	s5 =	simm.s32 @!p2 $0x0  }
0x1d: {  	s5 =	simm.s32 @p1 $0x1;
	p0 =	seq.s32 s7, s2  }
0x1e: {  	s7 =	smul.u32 @!p0 $0xF7A, s2;
	p2 =	seq.s32 @!p0 s5, $0x0  }
0x1f: {  	s9 =	smul.u32 $0xF7A, s1;
	s8 =	simm.s32 @!p0 $0x1BF5;
	p2 =	por !p2, p0  }
0x20: {  	[sflag:s8] =	ssyncset.s32 @!p0 $0xFFFFF086;
	s6 =	sadd.s32 @!p0 s3, s7;
	s7 =	simm.s32 @!p0 $0x108  }
0x21: {  	s3 =	sadd.s32 s3, s9;
	s6 =	sadd.s32 @!p0 $0x88, s6;
	s7 =	simm.s32 @p2 $0x1082  }
0x22: {  	[simem:s7], [sflag:s8] =	dma.local @!p0 [hbm:s6], $0xF7A  }
0x23: {  	s9 =	sor.u32 $0xD0000000, s2;
	s6 =	simm.s32 $0x108;
	_ =	swait.ge @!p0 [sflag:s8], $0x0  }
0x24: {  	s3 =	sadd.s32 $0x88, s3;
	s6 =	simm.s32 @!p1 $0x1082;
	[sflag:s4] =	ssyncset.s32 $0xFFFFF086  }
0x25: {  	[simem:s6], [sflag:s4] =	dma.local [hbm:s3], $0xF7A  }
0x26: {  	[smem:$0x3F9C] =	sst s1;
	(tag) =	ssettag s2;
	_ =	strace s9  }
0x27: {  	s1 =	sld [smem:$0x3FAC]  }
0x28: {  	s2 =	sld [smem:$0x3FAD]  }
0x29: {  	s4 =	sld [smem:$0x3FAF]  }
0x2a: {  	p0 =	seq.s32 s5, $0x0;
	s5 =	sld [smem:$0x3FB0]  }
0x2b: {  	s6 =	sld [smem:$0x3FB1]  }
0x2c: {  	s7 =	sld [smem:$0x3FB2]  }
0x2d: {  	s3 =	simm.s32 $0x108;
	s8 =	sld [smem:$0x3FB3]  }
0x2e: {  	s3 =	simm.s32 @!p0 $0x1082;
	s9 =	sld [smem:$0x3FB4]  }
0x2f: {  	lr =	sadd.s32 s0, s3;
	s0 =	sld [smem:$0x3FAB]  }
0x30: {  	s3 =	sld [smem:$0x3FAE]  }
0x31: {  	[smem:$0x3FB7] =	sst s10  }
0x32: {  	s10 =	sld [smem:$0x3FB5];
	_ =	sdelay $0x3  }
0x33: {  	p0 =	seq.s32 s10, $0x1;
	s10 =	sld [smem:$0x3FB7];
	_ =	sdelay $0x3  }
0x34: {  	[smem:$0x3FB7] =	sst s10  }
0x35: {  	s10 =	sld [smem:$0x3FB6];
	_ =	sdelay $0x3  }
0x36: {  	p1 =	seq.s32 s10, $0x1;
	s10 =	sld [smem:$0x3FB7];
	_ =	sdelay $0x3  }
0x37: {  	[smem:$0x3FB7] =	sst s10  }
0x38: {  	s10 =	sld [smem:$0x3FB8]  }
0x39: {  	_ = 	snop;
	(pc) =	sbr.ind lr, $3  }
0x3a: {  	_ = 	snop  }
0x3b: {  	_ = 	snop  }
0x3c: {  	p2 =	seq.s32 s10, $0x1;
	s10 =	sld [smem:$0x3FB7]  }
0x3d: {  	_ =	shalt  }
0x3e: {  	_ =	shalt  }
0x3f: {  	_ =	shalt  }
0x40: {  	_ =	shalt  }
0x41: {  	_ =	shalt  }
0x42: {  	_ =	shalt  }
0x43: {  	_ =	shalt  }
0x44: {  	_ =	shalt  }
0x45: {  	_ =	shalt  }
0x46: {  	_ =	shalt  }
0x47: {  	_ =	shalt  }
0x48: {  	_ =	shalt  }
0x49: {  	_ =	shalt  }
0x4a: {  	_ =	shalt  }
0x4b: {  	_ =	shalt  }
0x4c: {  	_ =	shalt  }
0x4d: {  	_ =	shalt  }
0x4e: {  	_ =	shalt  }
0x4f: {  	_ =	shalt  }
0x50: {  	_ =	shalt  }
0x51: {  	_ =	shalt  }
0x52: {  	_ =	shalt  }
0x53: {  	_ =	shalt  }
0x54: {  	_ =	shalt  }
0x55: {  	_ =	shalt  }
0x56: {  	_ =	shalt  }
0x57: {  	_ =	shalt  }
0x58: {  	_ =	shalt  }
0x59: {  	_ =	shalt  }
0x5a: {  	_ =	shalt  }
0x5b: {  	_ =	shalt  }
0x5c: {  	_ =	shalt  }
0x5d: {  	_ =	shalt  }
0x5e: {  	_ =	shalt  }
0x5f: {  	_ =	shalt  }
0x60: {  	_ =	shalt  }
0x61: {  	_ =	shalt  }
0x62: {  	_ =	shalt  }
0x63: {  	_ =	shalt  }
0x64: {  	_ =	shalt  }
0x65: {  	_ =	shalt  }
0x66: {  	_ =	shalt  }
0x67: {  	_ =	shalt  }
0x68: {  	_ =	shalt  }
0x69: {  	_ =	shalt  }
0x6a: {  	_ =	shalt  }
0x6b: {  	_ =	shalt  }
0x6c: {  	_ =	shalt  }
0x6d: {  	_ =	shalt  }
0x6e: {  	_ =	shalt  }
0x6f: {  	_ =	shalt  }
0x70: {  	_ =	shalt  }
0x71: {  	_ =	shalt  }
0x72: {  	_ =	shalt  }
0x73: {  	_ =	shalt  }
0x74: {  	_ =	shalt  }
0x75: {  	_ =	shalt  }
0x76: {  	_ =	shalt  }
0x77: {  	_ =	shalt  }
0x78: {  	_ =	shalt  }
0x79: {  	_ =	shalt  }
0x7a: {  	_ =	shalt  }
0x7b: {  	_ =	shalt  }
0x7c: {  	_ =	shalt  }
0x7d: {  	_ =	shalt  }
0x7e: {  	_ =	shalt  }
0x7f: {  	_ =	shalt  }
0x80: {  	_ =	shalt  }
0x81: {  	_ =	shalt  }
0x82: {  	_ =	shalt  }
0x83: {  	_ =	shalt  }
0x84: {  	_ =	shalt  }
0x85: {  	_ =	shalt  }
0x86: {  	_ =	shalt  }
0x87: {  	_ =	shalt  }
.Lfunc_end0:
.L_simem_size_0:
called_computation.2_lowered:
.L_overlay_start_0:
0x88: {  	s2 =	sld [smem:$0x3FD9]  }
0x89: {  	s3 =	sld [smem:$0x3FFE];
	_ =	sdelay $0x1  }
0x8a: {  	s1 =	srdreg.scid  }
0x8b: {  	s0 =	sand.u32 $0x1, s1  }
0x8c: {  	s17 =	sshll.u32 s0, $0xA;
	s2 =	sadd.s32 s3, s2  }
0x8d: {  	s2 =	sadd.s32 s2, s17  }
0x8e: {  	[smem:$0x3FC3] =	sst s2  }
0x8f: {  	_ = 	snop  }
0x90: {  	s2 =	sld [smem:$0x3FD0];
	(tm) =	ssettm $0x1  }
0x91: {  	s18 =	sld [smem:$0x3FFB];
	_ =	sdelay $0x3  }
0x92: {  	_ =	strace s18  }
0x93: {  	s3 =	sld [smem:$0x3FFC];
	_ =	sdelay $0x3  }
0x94: {  	_ =	strace s3  }
0x95: {  	s3 =	sld [smem:$0x3FFD];
	_ =	sdelay $0x3  }
0x96: {  	_ =	strace s3  }
0x97: {  	_ =	strace $0x8FFFFFFF  }
0x98: {  	s19 =	sld [smem:$0x3FDB];
	_ =	sdelay $0x1  }
0x99: {  	s4 =	simm.s32 $_scs_section_size  }
0x9a: {  	s5 =	simm.s32 $_size__tile_overlayer_lowered;
	s6 =	simm.s32 $_tile_overlayer_lowered  }
0x9b: {  	s22 =	simm.s32 $0x1BFF;
	s21 =	sshll.u32 s6, $0x1;
	s3 =	sadd.s32 s4, s19  }
0x9c: {  	s7 =	simm.s32 $0x0;
	s20 =	sshll.u32 s5, $0x1;
	s5 =	sadd.s32 s21, s3  }
0x9d: {  	[timem:s7], [sflag:s22] =	dma.local [hbm:s5], s20  }
0x9e: {  	_ =	swait.ge [sflag:s22], s20  }
0x9f: {  	s4 =	ssub.s32 $0x0, s20;
	[sflag:s22] =	ssyncset.done $0x0  }
0xa0: {  	[sflag:s22] =	ssyncadd.s32 s4;
	_ =	sdelay $0x1  }
0xa1: {  	s23 =	simm.s32 $0x1B8B  }
0xa2: {  	_ =	swait.ge [sflag:s23], $0x1  }
0xa3: {  	[sflag:s23] =	ssyncset.done $0x0  }
0xa4: {  	s25 =	simm.s32 $0x1B8E;
	s24 =	sld [smem:$0x3FFE];
	[sflag:s23] =	ssyncadd.s32 $0xFFFFFFFF  }
0xa5: {  	s26 =	simm.s32 $execute0_lowered;
	[smem:$0x3FD2] =	sst s25  }
0xa6: {  	s5 =	sshll.u32 s26, $0x1;
	_ =	strace $0x8000004C;
	[dreg:$0x1] =	wrdreg $0xFFFFFFFF  }
0xa7: {  	s28 =	simm.s32 $_size_execute0_lowered;
	s3 =	sadd.s32 s3, s5;
	[dreg:$0x0] =	wrdreg $0x0  }
0xa8: {  	s5 =	sshll.u32 s28, $0x1;
	[dreg:$0x2] =	wrdreg s3  }
0xa9: {  	[dreg:$0x3] =	wrdreg s5  }
0xaa: {  	[dreg:$0x4] =	wrdreg $0xC0  }
0xab: {  	_ =	task [dreg:s7], $0x5FFFF  }
0xac: {  	[dreg:$0x1] =	wrdreg $0xFFFFFFFF  }
0xad: {  	[dreg:$0x0] =	wrdreg $0x60  }
0xae: {  	[dreg:$0x2] =	wrdreg s2  }
0xaf: {  	[dreg:$0x3] =	wrdreg s24  }
0xb0: {  	[dreg:$0x4] =	wrdreg $0xB7800  }
0xb1: {  	[dreg:$0x5] =	wrdreg $0x9  }
0xb2: {  	_ =	task.clear_ibuf [dreg:s7], $0x6FFFF;
	_ =	strace $0x9000004C  }
0xb3: {  	s29 =	simm.s32 $0x9;
	_ =	strace $0x8000004E  }
0xb4: {  	_ =	swait.ge [sflag:s29], $0x1  }
0xb5: {  	[sflag:s29] =	ssyncadd.s32 $0xFFFFFFFF  }
0xb6: {  	_ =	strace $0x9000004E  }
0xb7: {  	_ =	sfence  }
0xb8: {  	s30 =	sld [smem:$0x0];
	_ =	sdelay $0x2  }
0xb9: {  	s31 =	sshll.u32 s1, $0xD;
	s1 =	sshrl.u32 s1, $0x2  }
0xba: {  	s3 =	sand.u32 $0x4000, s31;
	s1 =	sadd.s32 s1, s30  }
0xbb: {  	s0 =	sor.u32 s3, s0;
	s1 =	sshll.u32 s1, $0x11  }
0xbc: {  	s0 =	sor.u32 s1, s0  }
0xbd: {  	s0 =	sadd.s32 $0x8F2B, s0  }
0xbe: {  	[sflag:s0] =	ssyncadd.remote.s32 $0x1  }
0xbf: {  	_ =	sfence.sel $0xFFFF  }
0xc0: {  	[dreg:$0x0] =	wrdreg $0xFFFFFFFF;
	(pc) =	sbr.abs _section_cstart, $3  }
0xc1: {  	[dreg:$0x1] =	wrdreg $0xFFFFFFFF  }
0xc2: {  	_ =	task.clear_ibuf [dreg:s7], $0x2FFFF;
	_ =	strace $0x9FFFFFFF  }
0xc3: {  	(tm) =	ssettm $0x7FFFFFFF  }
tec
execute0_lowered:
.L_overlay_start_1:
0x0: {  	(tag) =	ssettag $0x1  }
0x1: {  	s1 =	rddreg [dreg:$0x0]  }
0x2: {  	s6 =	rddreg [dreg:$0x1];
	s2 =	srdreg.scid  }
0x3: {  	s0 =	stileid.u32;
	s3 =	rddreg [dreg:$0x2];
	s4 =	simm.s32 $0x0  }
0x4: {  	s14 =	simm.s32 $0x6780;
	s15 =	simm.s32 $0x8F80;
	s16 =	simm.s32 $0x1  }
0x5: {  	s17 =	simm.s32 $0x2;
	s18 =	simm.s32 $0x3;
	s19 =	simm.s32 $0x4  }
0x6: {  	s20 =	simm.s32 $0x6480;
	s21 =	simm.s32 $0x6500;
	s22 =	simm.s32 $0x26C0  }
0x7: {  	s23 =	simm.s32 $0x6580;
	s7 =	sand.u32 $0x1, s2;
	s2 =	rddreg [dreg:$0x3]  }
0x8: {  	s5 =	sshll.u32 s0, $0x1;
	[smem:$0x7FF] =	sst s4;
	s11 =	smul.u32 $0x4F000, s0  }
0x9: {  	s12 =	sshll.u32 s0, $0x6;
	s25 =	smul.u32 $0x2780, s0;
	s5 =	sor.u32 s7, s5  }
0xa: {  	_ =	strace $0x8000004D;
	s9 =	smul.u32 $0x27800, s7;
	s31 =	ssub.s32 $0x2, s7  }
0xb: {  	s8 =	smul.u32 $0x4F0, s5;
	s5 =	sshll.u32 s5, $0xB;
	s7 =	sshrl.u32 s31, $0x1  }
0xc: {  	s11 =	sshrl.u32 s11, $0x2;
	s10 =	sadd.s32 s5, s6;
	s5 =	sadd.s32 $0x1C200, s6  }
0xd: {  	s9 =	sadd.s32 s9, s6;
	s13 =	ssub.s32 s31, s7;
	s11 =	sadd.s32 s11, s3  }
0xe: {  	s8 =	sadd.s32 s8, s6;
	s6 =	sor.u32 $0x1C05, s12;
	s24 =	sadd.s32 $0x1EA00, s9  }
0xf: {  	s9 =	smax.u32 s13, $0x1;
	s12 =	simm.s32 $0x2780;
	s13 =	simm.s32 $0x50  }
0x10: {  	s7 =	sadd.s32 $0x12400, s8;
	s8 =	sadd.s32 $0x2400, s10;
	s10 =	sshrl.u32 s11, $0x3  }
0x11: {  	s11 =	simm.s32 $0x5;
	s24 =	sadd.s32 s25, s24;
	s25 =	simm.s32 $0x0  }
.LBB2_1:
0x12: {  	[spmem:s10], [sflag:s6] =	dma.local [hbm:s5], $0x2780  }
0x13: {  	_ =	swait.ge [sflag:s11], $0x2780  }
0x14: {  	[sflag:s11] =	ssyncset.done $0x0  }
0x15: {  	[sflag:s11] =	ssyncadd.s32 $0xFFFFD880  }
0x16: {  	[tilespmem:s4], [sflag:$0x5] =	stream.linear.gather [hbm4b:s7+s4], $0x2780, $0x38;
	[tilespmem:$0x1F380] =	vst v63  }
0x17: {  	_ =	swait.ge [sflag:s11], $0x2780  }
0x18: {  	[sflag:s11] =	ssyncset.done $0x0  }
0x19: {  	[sflag:s11] =	ssyncadd.s32 $0xFFFFD880  }
0x1a: {  	[tilespmem:s12], [sflag:$0x5] =	stream.linear.gather [hbm4b:s8+s4], $0x3E80, $0x38;
	[tilespmem:$0x1F380] =	vst v63  }
0x1b: {  	_ =	swait.ge [sflag:s11], $0x3E80  }
0x1c: {  	[sflag:s11] =	ssyncset.done $0x0  }
0x1d: {  	[sflag:s11] =	ssyncadd.s32 $0xFFFFC180  }
0x1e: {  	[bflag:$0x0] =	sbarrier.arrive $0xFFFF  }
0x1f: {  	[tilespmem:s14], [sflag:$0x1] =	stream.indirect.gather [hbm4b:s1+s13], $0x80, s4, s13, $0xb8;
	[tilespmem:$0x1F380] =	vst v63  }
0x20: {  	_ = 	snop  }
0x21: {  	[tilespmem:s15], [sflag:$0x2] =	stream.indirect.gather [hbm4b:s1+s13], $0x80, s13, s13, $0xb8;
	[tilespmem:$0x1F380] =	vst v63  }
0x22: {  	_ =	swait.ge [sflag:s16], $0x2800  }
0x23: {  	[sflag:s16] =	ssyncset.done $0x0  }
0x24: {  	s26 =	simm.s32 $0x2780;
	[sflag:s16] =	ssyncadd.s32 $0xFFFFD800  }
0x25: {  	[spmem:s3] =	stream.indirect.scatter.add.f32 [tilespmem:s14], [sflag:$0x3], $0x80, s26, s13, $0xb8;
	[tilespmem:$0x1F380] =	vst v63  }
0x26: {  	_ =	swait.ge [sflag:s17], $0x2800  }
0x27: {  	[sflag:s17] =	ssyncset.done $0x0  }
0x28: {  	s30 =	simm.s32 $0x2800;
	[sflag:s17] =	ssyncadd.s32 $0xFFFFD800  }
0x29: {  	[spmem:s3] =	stream.indirect.scatter.add.f32 [tilespmem:s15], [sflag:$0x4], $0x80, s30, s13, $0xb8;
	[tilespmem:$0x1F380] =	vst v63  }
0x2a: {  	_ =	swait.ge [sflag:s18], $0x2800  }
0x2b: {  	[sflag:s18] =	ssyncset.done $0x0  }
0x2c: {  	s31 =	simm.s32 $0xA0;
	[sflag:s18] =	ssyncadd.s32 $0xFFFFD800  }
0x2d: {  	[tilespmem:s14], [sflag:$0x1] =	stream.indirect.gather [hbm4b:s1+s13], $0x80, s31, s13, $0xb8;
	[tilespmem:$0x1F380] =	vst v63  }
0x2e: {  	_ =	swait.ge [sflag:s19], $0x2800  }
0x2f: {  	s29 =	simm.s32 $0xF0;
	[sflag:s19] =	ssyncset.done $0x0  }
0x30: {  	s28 =	simm.s32 $0x140;
	s26 =	simm.s32 $0x400;
	[sflag:s19] =	ssyncadd.s32 $0xFFFFD800  }
.LBB2_2:
0x31: {  	[tilespmem:s15], [sflag:$0x2] =	stream.indirect.gather [hbm4b:s1+s13], $0x80, s29, s13, $0xb8;
	[tilespmem:$0x1F380] =	vst v63  }
0x32: {  	s29 =	smov.u32 s26  }
0x33: {  	p0 =	sne.s32 s26, $0xF000;
	s26 =	sadd.s32 $0x400, s26;
	_ =	swait.ge [sflag:s16], $0x2800  }
0x34: {  	s29 =	sshra.s32 s29, $0x2;
	[sflag:s16] =	ssyncset.done $0x0  }
0x35: {  	s30 =	sadd.s32 $0x2780, s29;
	[sflag:s16] =	ssyncadd.s32 $0xFFFFD800  }
0x36: {  	[spmem:s3] =	stream.indirect.scatter.add.f32 [tilespmem:s14], [sflag:$0x3], $0x80, s30, s13, $0xb8;
	[tilespmem:$0x1F380] =	vst v63  }
0x37: {  	_ =	swait.ge [sflag:s17], $0x2800  }
0x38: {  	[sflag:s17] =	ssyncset.done $0x0  }
0x39: {  	s29 =	sadd.s32 $0x2800, s29;
	[sflag:s17] =	ssyncadd.s32 $0xFFFFD800  }
0x3a: {  	[spmem:s3] =	stream.indirect.scatter.add.f32 [tilespmem:s15], [sflag:$0x4], $0x80, s29, s13, $0xb8;
	[tilespmem:$0x1F380] =	vst v63  }
0x3b: {  	_ =	swait.ge [sflag:s18], $0x2800  }
0x3c: {  	[sflag:s18] =	ssyncset.done $0x0  }
.Ltmp0:
0x3d: {  	[sflag:s18] =	ssyncadd.s32 $0xFFFFD800;
	(pc) =	sbr.rel @p0 .LBB2_2-.Ltmp0, $4  }
0x3e: {  	[tilespmem:s14], [sflag:$0x1] =	stream.indirect.gather [hbm4b:s1+s13], $0x80, s28, s13, $0xb8;
	[tilespmem:$0x1F380] =	vst v63  }
0x3f: {  	_ =	swait.ge [sflag:s19], $0x2800  }
0x40: {  	[sflag:s19] =	ssyncset.done $0x0  }
0x41: {  	s29 =	sadd.s32 $0x50, s28;
	s28 =	sadd.s32 $0xA0, s28;
	[sflag:s19] =	ssyncadd.s32 $0xFFFFD800  }
0x42: {  	[tilespmem:s15], [sflag:$0x2] =	stream.indirect.gather [hbm4b:s1+s13], $0x80, s29, s13, $0xb8;
	[tilespmem:$0x1F380] =	vst v63  }
0x43: {  	_ =	swait.ge [sflag:s16], $0x2800  }
0x44: {  	[sflag:s16] =	ssyncset.done $0x0  }
0x45: {  	[sflag:s16] =	ssyncadd.s32 $0xFFFFD800  }
0x46: {  	[spmem:s3] =	stream.indirect.scatter.add.f32 [tilespmem:s14], [sflag:$0x3], $0x80, s20, s13, $0xb8;
	[tilespmem:$0x1F380] =	vst v63  }
0x47: {  	_ =	swait.ge [sflag:s17], $0x2800  }
0x48: {  	[sflag:s17] =	ssyncset.done $0x0  }
0x49: {  	[sflag:s17] =	ssyncadd.s32 $0xFFFFD800  }
0x4a: {  	[spmem:s3] =	stream.indirect.scatter.add.f32 [tilespmem:s15], [sflag:$0x4], $0x80, s21, s13, $0xb8;
	[tilespmem:$0x1F380] =	vst v63  }
0x4b: {  	_ =	swait.ge [sflag:s18], $0x2800  }
0x4c: {  	[sflag:s18] =	ssyncset.done $0x0  }
0x4d: {  	[sflag:s18] =	ssyncadd.s32 $0xFFFFD800  }
0x4e: {  	[tilespmem:s14], [sflag:$0x1] =	stream.indirect.gather [hbm4b:s1+s13], $0x80, s22, s13, $0xb8;
	[tilespmem:$0x1F380] =	vst v63  }
0x4f: {  	_ =	swait.ge [sflag:s16], $0x2800  }
0x50: {  	[sflag:s16] =	ssyncset.done $0x0  }
0x51: {  	[sflag:s16] =	ssyncadd.s32 $0xFFFFD800  }
0x52: {  	[spmem:s3] =	stream.indirect.scatter.add.f32 [tilespmem:s14], [sflag:$0x3], $0x80, s23, s13, $0xb8;
	[tilespmem:$0x1F380] =	vst v63  }
0x53: {  	_ =	swait.ge [sflag:s19], $0x2800  }
0x54: {  	[sflag:s19] =	ssyncset.done $0x0  }
0x55: {  	[sflag:s19] =	ssyncadd.s32 $0xFFFFD800  }
0x56: {  	_ =	swait.ge [sflag:s18], $0x2800  }
0x57: {  	s25 =	sadd.s32 $0x1, s25;
	[sflag:s18] =	ssyncset.done $0x0  }
0x58: {  	p0 =	sne.s32 s25, s9;
	[sflag:s18] =	ssyncadd.s32 $0xFFFFD800  }
.Ltmp1:
0x59: {  	[bflag:$0x0] =	sbarrier.arrive $0xFFFF;
	(pc) =	sbr.rel @p0 .LBB2_1-.Ltmp1, $4  }
0x5a: {  	[hbm:s24], [sflag:s6] =	dma.local [spmem:s10], $0x2780  }
0x5b: {  	_ =	swait.ge [sflag:s11], $0x2780  }
0x5c: {  	[sflag:s11] =	ssyncset.done $0x0  }
0x5d: {  	[sflag:s11] =	ssyncadd.s32 $0xFFFFD880  }
0x5e: {  	_ =	sfence.sel $0x180000  }
0x5f: {  	[bflag:$0x0] =	sbarrier.arrive $0xFFFF  }
0x60: {  	p0 =	sne.s32 s0, $0x0;
	_ =	strace $0x9000004D  }
0x61: {  	s0 =	sadd.s32 @!p0 $0x100000, s2;
	[bflag:$0x2] =	sbarrier.arrive $0xFFFF  }
0x62: {  	[sflag:s0] =	ssyncadd.tile.s32 @!p0 $0x1;
	_ =	shalt  }
.Lfunc_end2:
_tile_overlayer_lowered:
.L_overlay_start_2:
0x63: {  	(tag) =	ssettag $0x2  }
0x64: {  	s0 =	rddreg [dreg:$0x0];
	s2 =	stileid.u32  }
0x65: {  	s1 =	rddreg [dreg:$0x1];
	p0 =	sne.s32 s2, $0x0  }
0x66: {  	s3 =	rddreg [dreg:$0x2];
	[bflag:$0x3] =	sbarrier.arrive $0xFFFF;
	s2 =	simm.s32 @!p0 $0x1C05  }
0x67: {  	[timem:s3], [sflag:s2] =	dma.local @!p0 [hbm:s0], s1  }
0x68: {  	s0 =	simm.s32 @!p0 $0x5  }
0x69: {  	_ =	swait.ge @!p0 [sflag:s0], s1  }
0x6a: {  	s1 =	ssub.s32 @!p0 $0x0, s1;
	[sflag:s0] =	ssyncset.done @!p0 $0x0  }
0x6b: {  	[sflag:s0] =	ssyncadd.s32 @!p0 s1  }
0x6c: {  	[bflag:$0x3] =	sbarrier.arrive $0xFFFF  }
0x6d: {  	_ =	shalt  }

// kernel: kernel.18.cloned.1.call-start
scs
__scs_entry_jumppad:
0x0: {  	(pc) =	sbr.rel $0x88, $3  }
0x1: {  	(tag) =	ssettag $0x0;
	lr =	simm.s32 $0x1  }
0x2: {  	[smem:$0x3F9C] =	sst lr;
	_ =	strace $0xD0000000  }
0x3: {  	_ = 	snop  }
0x4: {  	_ = 	snop  }
0x5: {  	_ = 	snop  }
0x6: {  	_ = 	snop  }
0x7: {  	_ = 	snop  }
__scs_overlays_trampoline_lowered:
0x8: {  	[smem:$0x3FAB] =	sst s0  }
0x9: {  	[smem:$0x3FAC] =	sst s1  }
0xa: {  	[smem:$0x3FAD] =	sst s2  }
0xb: {  	[smem:$0x3FAE] =	sst s3  }
0xc: {  	[smem:$0x3FAF] =	sst s4  }
0xd: {  	[smem:$0x3FB0] =	sst s5  }
0xe: {  	[smem:$0x3FB1] =	sst s6  }
0xf: {  	[smem:$0x3FB2] =	sst s7  }
0x10: {  	[smem:$0x3FB3] =	sst s8  }
0x11: {  	[smem:$0x3FB4] =	sst s9;
	s0 =	simm.s32 @!p0 $0x0  }
0x12: {  	s1 =	sld [smem:$0x3F9A];
	s0 =	simm.s32 @p0 $0x1  }
0x13: {  	[smem:$0x3FB5] =	sst s0;
	s0 =	simm.s32 @!p1 $0x0  }
0x14: {  	s2 =	sld [smem:$0x3F99];
	s0 =	simm.s32 @p1 $0x1  }
0x15: {  	[smem:$0x3FB6] =	sst s0;
	s0 =	simm.s32 @!p2 $0x0  }
0x16: {  	s3 =	sld [smem:$0x3FDB];
	s0 =	simm.s32 @p2 $0x1  }
0x17: {  	s4 =	simm.s32 $0x1BF5;
	[smem:$0x3FB8] =	sst s0  }
0x18: {  	s0 =	sld [smem:$0x3F9B];
	_ =	swait.ge [sflag:s4], $0x0  }
0x19: {  	s7 =	sld [smem:$0x3F9C]  }
0x1a: {  	s8 =	sadd.s32 $0xFFFFE003, lr  }
0x1b: {  	s9 =	sadd.s32 $0xFFFFFEF7, lr;
	s5 =	simm.s32 $0xFFFFFFFF;
	p2 =	slt.u32 s8, $0xFFFFF086  }
0x1c: {  	p1 =	slt.u32 s9, $0xF7A;
	s5 =	simm.s32 @!p2 $0x0  }
0x1d: {  	s5 =	simm.s32 @p1 $0x1;
	p0 =	seq.s32 s7, s2  }
0x1e: {  	s7 =	smul.u32 @!p0 $0xF7A, s2;
	p2 =	seq.s32 @!p0 s5, $0x0  }
0x1f: {  	s9 =	smul.u32 $0xF7A, s1;
	s8 =	simm.s32 @!p0 $0x1BF5;
	p2 =	por !p2, p0  }
0x20: {  	[sflag:s8] =	ssyncset.s32 @!p0 $0xFFFFF086;
	s6 =	sadd.s32 @!p0 s3, s7;
	s7 =	simm.s32 @!p0 $0x108  }
0x21: {  	s3 =	sadd.s32 s3, s9;
	s6 =	sadd.s32 @!p0 $0x88, s6;
	s7 =	simm.s32 @p2 $0x1082  }
0x22: {  	[simem:s7], [sflag:s8] =	dma.local @!p0 [hbm:s6], $0xF7A  }
0x23: {  	s9 =	sor.u32 $0xD0000000, s2;
	s6 =	simm.s32 $0x108;
	_ =	swait.ge @!p0 [sflag:s8], $0x0  }
0x24: {  	s3 =	sadd.s32 $0x88, s3;
	s6 =	simm.s32 @!p1 $0x1082;
	[sflag:s4] =	ssyncset.s32 $0xFFFFF086  }
0x25: {  	[simem:s6], [sflag:s4] =	dma.local [hbm:s3], $0xF7A  }
0x26: {  	[smem:$0x3F9C] =	sst s1;
	(tag) =	ssettag s2;
	_ =	strace s9  }
0x27: {  	s1 =	sld [smem:$0x3FAC]  }
0x28: {  	s2 =	sld [smem:$0x3FAD]  }
0x29: {  	s4 =	sld [smem:$0x3FAF]  }
0x2a: {  	p0 =	seq.s32 s5, $0x0;
	s5 =	sld [smem:$0x3FB0]  }
0x2b: {  	s6 =	sld [smem:$0x3FB1]  }
0x2c: {  	s7 =	sld [smem:$0x3FB2]  }
0x2d: {  	s3 =	simm.s32 $0x108;
	s8 =	sld [smem:$0x3FB3]  }
0x2e: {  	s3 =	simm.s32 @!p0 $0x1082;
	s9 =	sld [smem:$0x3FB4]  }
0x2f: {  	lr =	sadd.s32 s0, s3;
	s0 =	sld [smem:$0x3FAB]  }
0x30: {  	s3 =	sld [smem:$0x3FAE]  }
0x31: {  	[smem:$0x3FB7] =	sst s10  }
0x32: {  	s10 =	sld [smem:$0x3FB5];
	_ =	sdelay $0x3  }
0x33: {  	p0 =	seq.s32 s10, $0x1;
	s10 =	sld [smem:$0x3FB7];
	_ =	sdelay $0x3  }
0x34: {  	[smem:$0x3FB7] =	sst s10  }
0x35: {  	s10 =	sld [smem:$0x3FB6];
	_ =	sdelay $0x3  }
0x36: {  	p1 =	seq.s32 s10, $0x1;
	s10 =	sld [smem:$0x3FB7];
	_ =	sdelay $0x3  }
0x37: {  	[smem:$0x3FB7] =	sst s10  }
0x38: {  	s10 =	sld [smem:$0x3FB8]  }
0x39: {  	_ = 	snop;
	(pc) =	sbr.ind lr, $3  }
0x3a: {  	_ = 	snop  }
0x3b: {  	_ = 	snop  }
0x3c: {  	p2 =	seq.s32 s10, $0x1;
	s10 =	sld [smem:$0x3FB7]  }
0x3d: {  	_ =	shalt  }
0x3e: {  	_ =	shalt  }
0x3f: {  	_ =	shalt  }
0x40: {  	_ =	shalt  }
0x41: {  	_ =	shalt  }
0x42: {  	_ =	shalt  }
0x43: {  	_ =	shalt  }
0x44: {  	_ =	shalt  }
0x45: {  	_ =	shalt  }
0x46: {  	_ =	shalt  }
0x47: {  	_ =	shalt  }
0x48: {  	_ =	shalt  }
0x49: {  	_ =	shalt  }
0x4a: {  	_ =	shalt  }
0x4b: {  	_ =	shalt  }
0x4c: {  	_ =	shalt  }
0x4d: {  	_ =	shalt  }
0x4e: {  	_ =	shalt  }
0x4f: {  	_ =	shalt  }
0x50: {  	_ =	shalt  }
0x51: {  	_ =	shalt  }
0x52: {  	_ =	shalt  }
0x53: {  	_ =	shalt  }
0x54: {  	_ =	shalt  }
0x55: {  	_ =	shalt  }
0x56: {  	_ =	shalt  }
0x57: {  	_ =	shalt  }
0x58: {  	_ =	shalt  }
0x59: {  	_ =	shalt  }
0x5a: {  	_ =	shalt  }
0x5b: {  	_ =	shalt  }
0x5c: {  	_ =	shalt  }
0x5d: {  	_ =	shalt  }
0x5e: {  	_ =	shalt  }
0x5f: {  	_ =	shalt  }
0x60: {  	_ =	shalt  }
0x61: {  	_ =	shalt  }
0x62: {  	_ =	shalt  }
0x63: {  	_ =	shalt  }
0x64: {  	_ =	shalt  }
0x65: {  	_ =	shalt  }
0x66: {  	_ =	shalt  }
0x67: {  	_ =	shalt  }
0x68: {  	_ =	shalt  }
0x69: {  	_ =	shalt  }
0x6a: {  	_ =	shalt  }
0x6b: {  	_ =	shalt  }
0x6c: {  	_ =	shalt  }
0x6d: {  	_ =	shalt  }
0x6e: {  	_ =	shalt  }
0x6f: {  	_ =	shalt  }
0x70: {  	_ =	shalt  }
0x71: {  	_ =	shalt  }
0x72: {  	_ =	shalt  }
0x73: {  	_ =	shalt  }
0x74: {  	_ =	shalt  }
0x75: {  	_ =	shalt  }
0x76: {  	_ =	shalt  }
0x77: {  	_ =	shalt  }
0x78: {  	_ =	shalt  }
0x79: {  	_ =	shalt  }
0x7a: {  	_ =	shalt  }
0x7b: {  	_ =	shalt  }
0x7c: {  	_ =	shalt  }
0x7d: {  	_ =	shalt  }
0x7e: {  	_ =	shalt  }
0x7f: {  	_ =	shalt  }
0x80: {  	_ =	shalt  }
0x81: {  	_ =	shalt  }
0x82: {  	_ =	shalt  }
0x83: {  	_ =	shalt  }
0x84: {  	_ =	shalt  }
0x85: {  	_ =	shalt  }
0x86: {  	_ =	shalt  }
0x87: {  	_ =	shalt  }
.Lfunc_end0:
.L_simem_size_0:
called_computation.3_lowered:
.L_overlay_start_0:
0x88: {  	s2 =	sld [smem:$0x3FD9]  }
0x89: {  	s3 =	sld [smem:$0x3FFE];
	_ =	sdelay $0x1  }
0x8a: {  	s1 =	srdreg.scid  }
0x8b: {  	s0 =	sand.u32 $0x1, s1  }
0x8c: {  	s17 =	sshll.u32 s0, $0xA;
	s2 =	sadd.s32 s3, s2  }
0x8d: {  	s2 =	sadd.s32 s2, s17  }
0x8e: {  	[smem:$0x3FC3] =	sst s2  }
0x8f: {  	_ = 	snop  }
0x90: {  	s2 =	sld [smem:$0x3FD0];
	(tm) =	ssettm $0x1  }
0x91: {  	s18 =	sld [smem:$0x3FFB];
	_ =	sdelay $0x3  }
0x92: {  	_ =	strace s18  }
0x93: {  	s3 =	sld [smem:$0x3FFC];
	_ =	sdelay $0x3  }
0x94: {  	_ =	strace s3  }
0x95: {  	s3 =	sld [smem:$0x3FFD];
	_ =	sdelay $0x3  }
0x96: {  	_ =	strace s3  }
0x97: {  	_ =	strace $0x8FFFFFFF  }
0x98: {  	s19 =	sld [smem:$0x3FDB];
	_ =	sdelay $0x1  }
0x99: {  	s4 =	simm.s32 $_scs_section_size  }
0x9a: {  	s5 =	simm.s32 $_size__tile_overlayer_lowered;
	s6 =	simm.s32 $_tile_overlayer_lowered  }
0x9b: {  	s22 =	simm.s32 $0x1BFF;
	s21 =	sshll.u32 s6, $0x1;
	s3 =	sadd.s32 s4, s19  }
0x9c: {  	s7 =	simm.s32 $0x0;
	s20 =	sshll.u32 s5, $0x1;
	s5 =	sadd.s32 s21, s3  }
0x9d: {  	[timem:s7], [sflag:s22] =	dma.local [hbm:s5], s20  }
0x9e: {  	_ =	swait.ge [sflag:s22], s20  }
0x9f: {  	s4 =	ssub.s32 $0x0, s20;
	[sflag:s22] =	ssyncset.done $0x0  }
0xa0: {  	[sflag:s22] =	ssyncadd.s32 s4;
	_ =	sdelay $0x1  }
0xa1: {  	s23 =	simm.s32 $0x1B8B  }
0xa2: {  	_ =	swait.ge [sflag:s23], $0x1  }
0xa3: {  	[sflag:s23] =	ssyncset.done $0x0  }
0xa4: {  	s25 =	simm.s32 $0x1B8E;
	s24 =	sld [smem:$0x3FFE];
	[sflag:s23] =	ssyncadd.s32 $0xFFFFFFFF  }
0xa5: {  	s26 =	simm.s32 $execute0_lowered;
	[smem:$0x3FD2] =	sst s25  }
0xa6: {  	s5 =	sshll.u32 s26, $0x1;
	_ =	strace $0x8000004F;
	[dreg:$0x1] =	wrdreg $0xFFFFFFFF  }
0xa7: {  	s28 =	simm.s32 $_size_execute0_lowered;
	s3 =	sadd.s32 s3, s5;
	[dreg:$0x0] =	wrdreg $0x0  }
0xa8: {  	s5 =	sshll.u32 s28, $0x1;
	[dreg:$0x2] =	wrdreg s3  }
0xa9: {  	[dreg:$0x3] =	wrdreg s5  }
0xaa: {  	[dreg:$0x4] =	wrdreg $0xC0  }
0xab: {  	_ =	task [dreg:s7], $0x5FFFF  }
0xac: {  	[dreg:$0x1] =	wrdreg $0xFFFFFFFF  }
0xad: {  	[dreg:$0x0] =	wrdreg $0x60  }
0xae: {  	[dreg:$0x2] =	wrdreg s2  }
0xaf: {  	[dreg:$0x3] =	wrdreg s24  }
0xb0: {  	[dreg:$0x4] =	wrdreg $0xB7800  }
0xb1: {  	[dreg:$0x5] =	wrdreg $0x9  }
0xb2: {  	_ =	task.clear_ibuf [dreg:s7], $0x6FFFF;
	_ =	strace $0x9000004F  }
0xb3: {  	s29 =	simm.s32 $0x9;
	_ =	strace $0x80000051  }
0xb4: {  	_ =	swait.ge [sflag:s29], $0x1  }
0xb5: {  	[sflag:s29] =	ssyncadd.s32 $0xFFFFFFFF  }
0xb6: {  	_ =	strace $0x90000051  }
0xb7: {  	_ =	sfence  }
0xb8: {  	s30 =	sld [smem:$0x0];
	_ =	sdelay $0x2  }
0xb9: {  	s31 =	sshll.u32 s1, $0xD;
	s1 =	sshrl.u32 s1, $0x2  }
0xba: {  	s3 =	sand.u32 $0x4000, s31;
	s1 =	sadd.s32 s1, s30  }
0xbb: {  	s0 =	sor.u32 s3, s0;
	s1 =	sshll.u32 s1, $0x11  }
0xbc: {  	s0 =	sor.u32 s1, s0  }
0xbd: {  	s0 =	sadd.s32 $0x8F2B, s0  }
0xbe: {  	[sflag:s0] =	ssyncadd.remote.s32 $0x1  }
0xbf: {  	_ =	sfence.sel $0xFFFF  }
0xc0: {  	[dreg:$0x0] =	wrdreg $0xFFFFFFFF;
	(pc) =	sbr.abs _section_cstart, $3  }
0xc1: {  	[dreg:$0x1] =	wrdreg $0xFFFFFFFF  }
0xc2: {  	_ =	task.clear_ibuf [dreg:s7], $0x2FFFF;
	_ =	strace $0x9FFFFFFF  }
0xc3: {  	(tm) =	ssettm $0x7FFFFFFF  }
tec
execute0_lowered:
.L_overlay_start_1:
0x0: {  	(tag) =	ssettag $0x1  }
0x1: {  	s1 =	rddreg [dreg:$0x0]  }
0x2: {  	s6 =	rddreg [dreg:$0x1];
	s2 =	srdreg.scid  }
0x3: {  	s0 =	stileid.u32;
	s3 =	rddreg [dreg:$0x2];
	s4 =	simm.s32 $0x0  }
0x4: {  	s14 =	simm.s32 $0x6780;
	s15 =	simm.s32 $0x8F80;
	s16 =	simm.s32 $0x1  }
0x5: {  	s17 =	simm.s32 $0x2;
	s18 =	simm.s32 $0x3;
	s19 =	simm.s32 $0x4  }
0x6: {  	s20 =	simm.s32 $0x6480;
	s21 =	simm.s32 $0x6500;
	s22 =	simm.s32 $0x26C0  }
0x7: {  	s23 =	simm.s32 $0x6580;
	s7 =	sand.u32 $0x1, s2;
	s2 =	rddreg [dreg:$0x3]  }
0x8: {  	s5 =	sshll.u32 s0, $0x1;
	[smem:$0x7FF] =	sst s4;
	s11 =	smul.u32 $0x4F000, s0  }
0x9: {  	s12 =	sshll.u32 s0, $0x6;
	s25 =	smul.u32 $0x2780, s0;
	s5 =	sor.u32 s7, s5  }
0xa: {  	_ =	strace $0x80000050;
	s9 =	smul.u32 $0x27800, s7;
	s31 =	ssub.s32 $0x2, s7  }
0xb: {  	s8 =	smul.u32 $0x4F0, s5;
	s5 =	sshll.u32 s5, $0xB;
	s7 =	sshrl.u32 s31, $0x1  }
0xc: {  	s11 =	sshrl.u32 s11, $0x2;
	s10 =	sadd.s32 s5, s6;
	s5 =	sadd.s32 $0x1C200, s6  }
0xd: {  	s9 =	sadd.s32 s9, s6;
	s13 =	ssub.s32 s31, s7;
	s11 =	sadd.s32 s11, s3  }
0xe: {  	s8 =	sadd.s32 s8, s6;
	s6 =	sor.u32 $0x1C05, s12;
	s24 =	sadd.s32 $0x1EA00, s9  }
0xf: {  	s9 =	smax.u32 s13, $0x1;
	s12 =	simm.s32 $0x2780;
	s13 =	simm.s32 $0x50  }
0x10: {  	s7 =	sadd.s32 $0x12400, s8;
	s8 =	sadd.s32 $0x2400, s10;
	s10 =	sshrl.u32 s11, $0x3  }
0x11: {  	s11 =	simm.s32 $0x5;
	s24 =	sadd.s32 s25, s24;
	s25 =	simm.s32 $0x0  }
.LBB2_1:
0x12: {  	[spmem:s10], [sflag:s6] =	dma.local [hbm:s5], $0x2780  }
0x13: {  	_ =	swait.ge [sflag:s11], $0x2780  }
0x14: {  	[sflag:s11] =	ssyncset.done $0x0  }
0x15: {  	[sflag:s11] =	ssyncadd.s32 $0xFFFFD880  }
0x16: {  	[tilespmem:s4], [sflag:$0x5] =	stream.linear.gather [hbm4b:s7+s4], $0x2780, $0x38;
	[tilespmem:$0x1F380] =	vst v63  }
0x17: {  	_ =	swait.ge [sflag:s11], $0x2780  }
0x18: {  	[sflag:s11] =	ssyncset.done $0x0  }
0x19: {  	[sflag:s11] =	ssyncadd.s32 $0xFFFFD880  }
0x1a: {  	[tilespmem:s12], [sflag:$0x5] =	stream.linear.gather [hbm4b:s8+s4], $0x3E80, $0x38;
	[tilespmem:$0x1F380] =	vst v63  }
0x1b: {  	_ =	swait.ge [sflag:s11], $0x3E80  }
0x1c: {  	[sflag:s11] =	ssyncset.done $0x0  }
0x1d: {  	[sflag:s11] =	ssyncadd.s32 $0xFFFFC180  }
0x1e: {  	[bflag:$0x0] =	sbarrier.arrive $0xFFFF  }
0x1f: {  	[tilespmem:s14], [sflag:$0x1] =	stream.indirect.gather [hbm4b:s1+s13], $0x80, s4, s13, $0xb8;
	[tilespmem:$0x1F380] =	vst v63  }
0x20: {  	_ = 	snop  }
0x21: {  	[tilespmem:s15], [sflag:$0x2] =	stream.indirect.gather [hbm4b:s1+s13], $0x80, s13, s13, $0xb8;
	[tilespmem:$0x1F380] =	vst v63  }
0x22: {  	_ =	swait.ge [sflag:s16], $0x2800  }
0x23: {  	[sflag:s16] =	ssyncset.done $0x0  }
0x24: {  	s26 =	simm.s32 $0x2780;
	[sflag:s16] =	ssyncadd.s32 $0xFFFFD800  }
0x25: {  	[spmem:s3] =	stream.indirect.scatter.add.f32 [tilespmem:s14], [sflag:$0x3], $0x80, s26, s13, $0xb8;
	[tilespmem:$0x1F380] =	vst v63  }
0x26: {  	_ =	swait.ge [sflag:s17], $0x2800  }
0x27: {  	[sflag:s17] =	ssyncset.done $0x0  }
0x28: {  	s30 =	simm.s32 $0x2800;
	[sflag:s17] =	ssyncadd.s32 $0xFFFFD800  }
0x29: {  	[spmem:s3] =	stream.indirect.scatter.add.f32 [tilespmem:s15], [sflag:$0x4], $0x80, s30, s13, $0xb8;
	[tilespmem:$0x1F380] =	vst v63  }
0x2a: {  	_ =	swait.ge [sflag:s18], $0x2800  }
0x2b: {  	[sflag:s18] =	ssyncset.done $0x0  }
0x2c: {  	s31 =	simm.s32 $0xA0;
	[sflag:s18] =	ssyncadd.s32 $0xFFFFD800  }
0x2d: {  	[tilespmem:s14], [sflag:$0x1] =	stream.indirect.gather [hbm4b:s1+s13], $0x80, s31, s13, $0xb8;
	[tilespmem:$0x1F380] =	vst v63  }
0x2e: {  	_ =	swait.ge [sflag:s19], $0x2800  }
0x2f: {  	s29 =	simm.s32 $0xF0;
	[sflag:s19] =	ssyncset.done $0x0  }
0x30: {  	s28 =	simm.s32 $0x140;
	s26 =	simm.s32 $0x400;
	[sflag:s19] =	ssyncadd.s32 $0xFFFFD800  }
.LBB2_2:
0x31: {  	[tilespmem:s15], [sflag:$0x2] =	stream.indirect.gather [hbm4b:s1+s13], $0x80, s29, s13, $0xb8;
	[tilespmem:$0x1F380] =	vst v63  }
0x32: {  	s29 =	smov.u32 s26  }
0x33: {  	p0 =	sne.s32 s26, $0xF000;
	s26 =	sadd.s32 $0x400, s26;
	_ =	swait.ge [sflag:s16], $0x2800  }
0x34: {  	s29 =	sshra.s32 s29, $0x2;
	[sflag:s16] =	ssyncset.done $0x0  }
0x35: {  	s30 =	sadd.s32 $0x2780, s29;
	[sflag:s16] =	ssyncadd.s32 $0xFFFFD800  }
0x36: {  	[spmem:s3] =	stream.indirect.scatter.add.f32 [tilespmem:s14], [sflag:$0x3], $0x80, s30, s13, $0xb8;
	[tilespmem:$0x1F380] =	vst v63  }
0x37: {  	_ =	swait.ge [sflag:s17], $0x2800  }
0x38: {  	[sflag:s17] =	ssyncset.done $0x0  }
0x39: {  	s29 =	sadd.s32 $0x2800, s29;
	[sflag:s17] =	ssyncadd.s32 $0xFFFFD800  }
0x3a: {  	[spmem:s3] =	stream.indirect.scatter.add.f32 [tilespmem:s15], [sflag:$0x4], $0x80, s29, s13, $0xb8;
	[tilespmem:$0x1F380] =	vst v63  }
0x3b: {  	_ =	swait.ge [sflag:s18], $0x2800  }
0x3c: {  	[sflag:s18] =	ssyncset.done $0x0  }
.Ltmp0:
0x3d: {  	[sflag:s18] =	ssyncadd.s32 $0xFFFFD800;
	(pc) =	sbr.rel @p0 .LBB2_2-.Ltmp0, $4  }
0x3e: {  	[tilespmem:s14], [sflag:$0x1] =	stream.indirect.gather [hbm4b:s1+s13], $0x80, s28, s13, $0xb8;
	[tilespmem:$0x1F380] =	vst v63  }
0x3f: {  	_ =	swait.ge [sflag:s19], $0x2800  }
0x40: {  	[sflag:s19] =	ssyncset.done $0x0  }
0x41: {  	s29 =	sadd.s32 $0x50, s28;
	s28 =	sadd.s32 $0xA0, s28;
	[sflag:s19] =	ssyncadd.s32 $0xFFFFD800  }
0x42: {  	[tilespmem:s15], [sflag:$0x2] =	stream.indirect.gather [hbm4b:s1+s13], $0x80, s29, s13, $0xb8;
	[tilespmem:$0x1F380] =	vst v63  }
0x43: {  	_ =	swait.ge [sflag:s16], $0x2800  }
0x44: {  	[sflag:s16] =	ssyncset.done $0x0  }
0x45: {  	[sflag:s16] =	ssyncadd.s32 $0xFFFFD800  }
0x46: {  	[spmem:s3] =	stream.indirect.scatter.add.f32 [tilespmem:s14], [sflag:$0x3], $0x80, s20, s13, $0xb8;
	[tilespmem:$0x1F380] =	vst v63  }
0x47: {  	_ =	swait.ge [sflag:s17], $0x2800  }
0x48: {  	[sflag:s17] =	ssyncset.done $0x0  }
0x49: {  	[sflag:s17] =	ssyncadd.s32 $0xFFFFD800  }
0x4a: {  	[spmem:s3] =	stream.indirect.scatter.add.f32 [tilespmem:s15], [sflag:$0x4], $0x80, s21, s13, $0xb8;
	[tilespmem:$0x1F380] =	vst v63  }
0x4b: {  	_ =	swait.ge [sflag:s18], $0x2800  }
0x4c: {  	[sflag:s18] =	ssyncset.done $0x0  }
0x4d: {  	[sflag:s18] =	ssyncadd.s32 $0xFFFFD800  }
0x4e: {  	[tilespmem:s14], [sflag:$0x1] =	stream.indirect.gather [hbm4b:s1+s13], $0x80, s22, s13, $0xb8;
	[tilespmem:$0x1F380] =	vst v63  }
0x4f: {  	_ =	swait.ge [sflag:s16], $0x2800  }
0x50: {  	[sflag:s16] =	ssyncset.done $0x0  }
0x51: {  	[sflag:s16] =	ssyncadd.s32 $0xFFFFD800  }
0x52: {  	[spmem:s3] =	stream.indirect.scatter.add.f32 [tilespmem:s14], [sflag:$0x3], $0x80, s23, s13, $0xb8;
	[tilespmem:$0x1F380] =	vst v63  }
0x53: {  	_ =	swait.ge [sflag:s19], $0x2800  }
0x54: {  	[sflag:s19] =	ssyncset.done $0x0  }
0x55: {  	[sflag:s19] =	ssyncadd.s32 $0xFFFFD800  }
0x56: {  	_ =	swait.ge [sflag:s18], $0x2800  }
0x57: {  	s25 =	sadd.s32 $0x1, s25;
	[sflag:s18] =	ssyncset.done $0x0  }
0x58: {  	p0 =	sne.s32 s25, s9;
	[sflag:s18] =	ssyncadd.s32 $0xFFFFD800  }
.Ltmp1:
0x59: {  	[bflag:$0x0] =	sbarrier.arrive $0xFFFF;
	(pc) =	sbr.rel @p0 .LBB2_1-.Ltmp1, $4  }
0x5a: {  	[hbm:s24], [sflag:s6] =	dma.local [spmem:s10], $0x2780  }
0x5b: {  	_ =	swait.ge [sflag:s11], $0x2780  }
0x5c: {  	[sflag:s11] =	ssyncset.done $0x0  }
0x5d: {  	[sflag:s11] =	ssyncadd.s32 $0xFFFFD880  }
0x5e: {  	_ =	sfence.sel $0x180000  }
0x5f: {  	[bflag:$0x0] =	sbarrier.arrive $0xFFFF  }
0x60: {  	p0 =	sne.s32 s0, $0x0;
	_ =	strace $0x90000050  }
0x61: {  	s0 =	sadd.s32 @!p0 $0x100000, s2;
	[bflag:$0x2] =	sbarrier.arrive $0xFFFF  }
0x62: {  	[sflag:s0] =	ssyncadd.tile.s32 @!p0 $0x1;
	_ =	shalt  }
.Lfunc_end2:
_tile_overlayer_lowered:
.L_overlay_start_2:
0x63: {  	(tag) =	ssettag $0x2  }
0x64: {  	s0 =	rddreg [dreg:$0x0];
	s2 =	stileid.u32  }
0x65: {  	s1 =	rddreg [dreg:$0x1];
	p0 =	sne.s32 s2, $0x0  }
0x66: {  	s3 =	rddreg [dreg:$0x2];
	[bflag:$0x3] =	sbarrier.arrive $0xFFFF;
	s2 =	simm.s32 @!p0 $0x1C05  }
0x67: {  	[timem:s3], [sflag:s2] =	dma.local @!p0 [hbm:s0], s1  }
0x68: {  	s0 =	simm.s32 @!p0 $0x5  }
0x69: {  	_ =	swait.ge @!p0 [sflag:s0], s1  }
0x6a: {  	s1 =	ssub.s32 @!p0 $0x0, s1;
	[sflag:s0] =	ssyncset.done @!p0 $0x0  }
0x6b: {  	[sflag:s0] =	ssyncadd.s32 @!p0 s1  }
0x6c: {  	[bflag:$0x3] =	sbarrier.arrive $0xFFFF  }
0x6d: {  	_ =	shalt  }

// kernel: kernel.9.cloned.1.call-start
scs
__scs_entry_jumppad:
0x0: {  	(pc) =	sbr.rel $0x88, $3  }
0x1: {  	(tag) =	ssettag $0x0;
	lr =	simm.s32 $0x1  }
0x2: {  	[smem:$0x3F9C] =	sst lr;
	_ =	strace $0xD0000000  }
0x3: {  	_ = 	snop  }
0x4: {  	_ = 	snop  }
0x5: {  	_ = 	snop  }
0x6: {  	_ = 	snop  }
0x7: {  	_ = 	snop  }
__scs_overlays_trampoline_lowered:
0x8: {  	[smem:$0x3FAB] =	sst s0  }
0x9: {  	[smem:$0x3FAC] =	sst s1  }
0xa: {  	[smem:$0x3FAD] =	sst s2  }
0xb: {  	[smem:$0x3FAE] =	sst s3  }
0xc: {  	[smem:$0x3FAF] =	sst s4  }
0xd: {  	[smem:$0x3FB0] =	sst s5  }
0xe: {  	[smem:$0x3FB1] =	sst s6  }
0xf: {  	[smem:$0x3FB2] =	sst s7  }
0x10: {  	[smem:$0x3FB3] =	sst s8  }
0x11: {  	[smem:$0x3FB4] =	sst s9;
	s0 =	simm.s32 @!p0 $0x0  }
0x12: {  	s1 =	sld [smem:$0x3F9A];
	s0 =	simm.s32 @p0 $0x1  }
0x13: {  	[smem:$0x3FB5] =	sst s0;
	s0 =	simm.s32 @!p1 $0x0  }
0x14: {  	s2 =	sld [smem:$0x3F99];
	s0 =	simm.s32 @p1 $0x1  }
0x15: {  	[smem:$0x3FB6] =	sst s0;
	s0 =	simm.s32 @!p2 $0x0  }
0x16: {  	s3 =	sld [smem:$0x3FDB];
	s0 =	simm.s32 @p2 $0x1  }
0x17: {  	s4 =	simm.s32 $0x1BF5;
	[smem:$0x3FB8] =	sst s0  }
0x18: {  	s0 =	sld [smem:$0x3F9B];
	_ =	swait.ge [sflag:s4], $0x0  }
0x19: {  	s7 =	sld [smem:$0x3F9C]  }
0x1a: {  	s8 =	sadd.s32 $0xFFFFE003, lr  }
0x1b: {  	s9 =	sadd.s32 $0xFFFFFEF7, lr;
	s5 =	simm.s32 $0xFFFFFFFF;
	p2 =	slt.u32 s8, $0xFFFFF086  }
0x1c: {  	p1 =	slt.u32 s9, $0xF7A;
	s5 =	simm.s32 @!p2 $0x0  }
0x1d: {  	s5 =	simm.s32 @p1 $0x1;
	p0 =	seq.s32 s7, s2  }
0x1e: {  	s7 =	smul.u32 @!p0 $0xF7A, s2;
	p2 =	seq.s32 @!p0 s5, $0x0  }
0x1f: {  	s9 =	smul.u32 $0xF7A, s1;
	s8 =	simm.s32 @!p0 $0x1BF5;
	p2 =	por !p2, p0  }
0x20: {  	[sflag:s8] =	ssyncset.s32 @!p0 $0xFFFFF086;
	s6 =	sadd.s32 @!p0 s3, s7;
	s7 =	simm.s32 @!p0 $0x108  }
0x21: {  	s3 =	sadd.s32 s3, s9;
	s6 =	sadd.s32 @!p0 $0x88, s6;
	s7 =	simm.s32 @p2 $0x1082  }
0x22: {  	[simem:s7], [sflag:s8] =	dma.local @!p0 [hbm:s6], $0xF7A  }
0x23: {  	s9 =	sor.u32 $0xD0000000, s2;
	s6 =	simm.s32 $0x108;
	_ =	swait.ge @!p0 [sflag:s8], $0x0  }
0x24: {  	s3 =	sadd.s32 $0x88, s3;
	s6 =	simm.s32 @!p1 $0x1082;
	[sflag:s4] =	ssyncset.s32 $0xFFFFF086  }
0x25: {  	[simem:s6], [sflag:s4] =	dma.local [hbm:s3], $0xF7A  }
0x26: {  	[smem:$0x3F9C] =	sst s1;
	(tag) =	ssettag s2;
	_ =	strace s9  }
0x27: {  	s1 =	sld [smem:$0x3FAC]  }
0x28: {  	s2 =	sld [smem:$0x3FAD]  }
0x29: {  	s4 =	sld [smem:$0x3FAF]  }
0x2a: {  	p0 =	seq.s32 s5, $0x0;
	s5 =	sld [smem:$0x3FB0]  }
0x2b: {  	s6 =	sld [smem:$0x3FB1]  }
0x2c: {  	s7 =	sld [smem:$0x3FB2]  }
0x2d: {  	s3 =	simm.s32 $0x108;
	s8 =	sld [smem:$0x3FB3]  }
0x2e: {  	s3 =	simm.s32 @!p0 $0x1082;
	s9 =	sld [smem:$0x3FB4]  }
0x2f: {  	lr =	sadd.s32 s0, s3;
	s0 =	sld [smem:$0x3FAB]  }
0x30: {  	s3 =	sld [smem:$0x3FAE]  }
0x31: {  	[smem:$0x3FB7] =	sst s10  }
0x32: {  	s10 =	sld [smem:$0x3FB5];
	_ =	sdelay $0x3  }
0x33: {  	p0 =	seq.s32 s10, $0x1;
	s10 =	sld [smem:$0x3FB7];
	_ =	sdelay $0x3  }
0x34: {  	[smem:$0x3FB7] =	sst s10  }
0x35: {  	s10 =	sld [smem:$0x3FB6];
	_ =	sdelay $0x3  }
0x36: {  	p1 =	seq.s32 s10, $0x1;
	s10 =	sld [smem:$0x3FB7];
	_ =	sdelay $0x3  }
0x37: {  	[smem:$0x3FB7] =	sst s10  }
0x38: {  	s10 =	sld [smem:$0x3FB8]  }
0x39: {  	_ = 	snop;
	(pc) =	sbr.ind lr, $3  }
0x3a: {  	_ = 	snop  }
0x3b: {  	_ = 	snop  }
0x3c: {  	p2 =	seq.s32 s10, $0x1;
	s10 =	sld [smem:$0x3FB7]  }
0x3d: {  	_ =	shalt  }
0x3e: {  	_ =	shalt  }
0x3f: {  	_ =	shalt  }
0x40: {  	_ =	shalt  }
0x41: {  	_ =	shalt  }
0x42: {  	_ =	shalt  }
0x43: {  	_ =	shalt  }
0x44: {  	_ =	shalt  }
0x45: {  	_ =	shalt  }
0x46: {  	_ =	shalt  }
0x47: {  	_ =	shalt  }
0x48: {  	_ =	shalt  }
0x49: {  	_ =	shalt  }
0x4a: {  	_ =	shalt  }
0x4b: {  	_ =	shalt  }
0x4c: {  	_ =	shalt  }
0x4d: {  	_ =	shalt  }
0x4e: {  	_ =	shalt  }
0x4f: {  	_ =	shalt  }
0x50: {  	_ =	shalt  }
0x51: {  	_ =	shalt  }
0x52: {  	_ =	shalt  }
0x53: {  	_ =	shalt  }
0x54: {  	_ =	shalt  }
0x55: {  	_ =	shalt  }
0x56: {  	_ =	shalt  }
0x57: {  	_ =	shalt  }
0x58: {  	_ =	shalt  }
0x59: {  	_ =	shalt  }
0x5a: {  	_ =	shalt  }
0x5b: {  	_ =	shalt  }
0x5c: {  	_ =	shalt  }
0x5d: {  	_ =	shalt  }
0x5e: {  	_ =	shalt  }
0x5f: {  	_ =	shalt  }
0x60: {  	_ =	shalt  }
0x61: {  	_ =	shalt  }
0x62: {  	_ =	shalt  }
0x63: {  	_ =	shalt  }
0x64: {  	_ =	shalt  }
0x65: {  	_ =	shalt  }
0x66: {  	_ =	shalt  }
0x67: {  	_ =	shalt  }
0x68: {  	_ =	shalt  }
0x69: {  	_ =	shalt  }
0x6a: {  	_ =	shalt  }
0x6b: {  	_ =	shalt  }
0x6c: {  	_ =	shalt  }
0x6d: {  	_ =	shalt  }
0x6e: {  	_ =	shalt  }
0x6f: {  	_ =	shalt  }
0x70: {  	_ =	shalt  }
0x71: {  	_ =	shalt  }
0x72: {  	_ =	shalt  }
0x73: {  	_ =	shalt  }
0x74: {  	_ =	shalt  }
0x75: {  	_ =	shalt  }
0x76: {  	_ =	shalt  }
0x77: {  	_ =	shalt  }
0x78: {  	_ =	shalt  }
0x79: {  	_ =	shalt  }
0x7a: {  	_ =	shalt  }
0x7b: {  	_ =	shalt  }
0x7c: {  	_ =	shalt  }
0x7d: {  	_ =	shalt  }
0x7e: {  	_ =	shalt  }
0x7f: {  	_ =	shalt  }
0x80: {  	_ =	shalt  }
0x81: {  	_ =	shalt  }
0x82: {  	_ =	shalt  }
0x83: {  	_ =	shalt  }
0x84: {  	_ =	shalt  }
0x85: {  	_ =	shalt  }
0x86: {  	_ =	shalt  }
0x87: {  	_ =	shalt  }
.Lfunc_end0:
.L_simem_size_0:
called_computation_lowered:
.L_overlay_start_0:
0x88: {  	s2 =	sld [smem:$0x3FD9]  }
0x89: {  	s3 =	sld [smem:$0x3FFE];
	_ =	sdelay $0x1  }
0x8a: {  	s1 =	srdreg.scid  }
0x8b: {  	s0 =	sand.u32 $0x1, s1  }
0x8c: {  	s17 =	sshll.u32 s0, $0xA;
	s2 =	sadd.s32 s3, s2  }
0x8d: {  	s2 =	sadd.s32 s2, s17  }
0x8e: {  	[smem:$0x3FC3] =	sst s2  }
0x8f: {  	_ = 	snop  }
0x90: {  	s18 =	sld [smem:$0x3FD0];
	(tm) =	ssettm $0x1  }
0x91: {  	s19 =	sld [smem:$0x3FFB];
	_ =	sdelay $0x3  }
0x92: {  	_ =	strace s19  }
0x93: {  	s2 =	sld [smem:$0x3FFC];
	_ =	sdelay $0x3  }
0x94: {  	_ =	strace s2  }
0x95: {  	s2 =	sld [smem:$0x3FFD];
	_ =	sdelay $0x3  }
0x96: {  	_ =	strace s2  }
0x97: {  	_ =	strace $0x8FFFFFFF  }
0x98: {  	s20 =	sld [smem:$0x3FDB];
	_ =	sdelay $0x1  }
0x99: {  	s4 =	simm.s32 $_scs_section_size  }
0x9a: {  	s5 =	simm.s32 $_size__tile_overlayer_lowered;
	s6 =	simm.s32 $_tile_overlayer_lowered  }
0x9b: {  	s7 =	simm.s32 $0x1BFF;
	s21 =	sshll.u32 s6, $0x1;
	s4 =	sadd.s32 s4, s20  }
0x9c: {  	s22 =	simm.s32 $0x0;
	s5 =	sshll.u32 s5, $0x1;
	s6 =	sadd.s32 s21, s4  }
0x9d: {  	[timem:s22], [sflag:s7] =	dma.local [hbm:s6], s5  }
0x9e: {  	_ =	swait.ge [sflag:s7], s5  }
0x9f: {  	s5 =	ssub.s32 $0x0, s5;
	[sflag:s7] =	ssyncset.done $0x0  }
0xa0: {  	[sflag:s7] =	ssyncadd.s32 s5;
	_ =	sdelay $0x1  }
0xa1: {  	s23 =	simm.s32 $0x1B8B  }
0xa2: {  	_ =	swait.ge [sflag:s23], $0x1  }
0xa3: {  	[sflag:s23] =	ssyncset.done $0x0  }
0xa4: {  	[sflag:s23] =	ssyncadd.s32 $0xFFFFFFFF  }
0xa5: {  	s5 =	sld [smem:$0x0]  }
0xa6: {  	s6 =	sand.u32 $0xFFFFFFFE, s1  }
0xa7: {  	p0 =	sne.s32 s1, s6  }
0xa8: {  	s6 =	sshll.u32 @p0 s6, $0xE  }
0xa9: {  	s6 =	sadd.s32 @p0 $0x11B8D, s6;
	s7 =	sshll.u32 @p0 s5, $0x11  }
0xaa: {  	s6 =	sor.u32 @p0 s7, s6  }
0xab: {  	[sflag:s6] =	ssyncadd.remote.s32 @p0 $0x1;
	_ =	sdelay $0x1  }
0xac: {  	s6 =	simm.s32 @p0 $0x1B8D  }
0xad: {  	_ =	swait.eq @p0 [sflag:s6], $0x1  }
0xae: {  	[sflag:s6] =	ssyncadd.s32 @p0 $0xFFFFFFFF  }
0xaf: {  	s7 =	sshll.u32 @!p0 s1, $0xE  }
0xb0: {  	s7 =	sor.u32 @!p0 $0x4000, s7;
	s6 =	simm.s32 @!p0 $0x1B8D  }
0xb1: {  	s5 =	sshll.u32 @!p0 s5, $0x11;
	s7 =	sadd.s32 @!p0 $0x11B8D, s7;
	_ =	swait.eq @!p0 [sflag:s6], $0x1  }
0xb2: {  	s5 =	sor.u32 @!p0 s5, s7;
	[sflag:s6] =	ssyncadd.s32 @!p0 $0xFFFFFFFF  }
0xb3: {  	s25 =	simm.s32 $0x1B8E;
	s24 =	sld [smem:$0x3FFE];
	[sflag:s5] =	ssyncadd.remote.s32 @!p0 $0x1  }
0xb4: {  	s26 =	simm.s32 $execute0_lowered;
	[smem:$0x3FD2] =	sst s25  }
0xb5: {  	s6 =	sshll.u32 s26, $0x1;
	_ =	strace $0x80000049;
	[dreg:$0x1] =	wrdreg $0xFFFFFFFF  }
0xb6: {  	s28 =	simm.s32 $_size_execute0_lowered;
	s4 =	sadd.s32 s4, s6;
	[dreg:$0x0] =	wrdreg $0x0  }
0xb7: {  	s6 =	sshll.u32 s28, $0x1;
	[dreg:$0x2] =	wrdreg s4  }
0xb8: {  	[dreg:$0x3] =	wrdreg s6  }
0xb9: {  	[dreg:$0x4] =	wrdreg $0xC0  }
0xba: {  	_ =	task [dreg:s22], $0x5FFFF  }
0xbb: {  	[dreg:$0x1] =	wrdreg $0xFFFFFFFF  }
0xbc: {  	[dreg:$0x0] =	wrdreg $0x60  }
0xbd: {  	[dreg:$0x2] =	wrdreg s18  }
0xbe: {  	[dreg:$0x3] =	wrdreg s24  }
0xbf: {  	[dreg:$0x4] =	wrdreg $0x68000  }
0xc0: {  	[dreg:$0x5] =	wrdreg $0x9  }
0xc1: {  	_ =	task.clear_ibuf [dreg:s22], $0x6FFFF;
	_ =	strace $0x90000049  }
0xc2: {  	s29 =	simm.s32 $0x9;
	_ =	strace $0x8000004B  }
0xc3: {  	_ =	swait.ge [sflag:s29], $0x1  }
0xc4: {  	[sflag:s29] =	ssyncadd.s32 $0xFFFFFFFF  }
0xc5: {  	_ =	strace $0x9000004B  }
0xc6: {  	_ =	sfence  }
0xc7: {  	s30 =	sld [smem:$0x0];
	_ =	sdelay $0x2  }
0xc8: {  	s31 =	sshll.u32 s1, $0xD;
	s1 =	sshrl.u32 s1, $0x2  }
0xc9: {  	s4 =	sand.u32 $0x4000, s31;
	s1 =	sadd.s32 s1, s30  }
0xca: {  	s0 =	sor.u32 s4, s0;
	s1 =	sshll.u32 s1, $0x11  }
0xcb: {  	s0 =	sor.u32 s1, s0  }
0xcc: {  	s0 =	sadd.s32 $0x8F2B, s0  }
0xcd: {  	[sflag:s0] =	ssyncadd.remote.s32 $0x1  }
0xce: {  	_ =	sfence.sel $0xFFFF  }
0xcf: {  	[dreg:$0x0] =	wrdreg $0xFFFFFFFF;
	(pc) =	sbr.abs _section_cstart, $3  }
0xd0: {  	[dreg:$0x1] =	wrdreg $0xFFFFFFFF  }
0xd1: {  	_ =	task.clear_ibuf [dreg:s22], $0x2FFFF;
	_ =	strace $0x9FFFFFFF  }
0xd2: {  	(tm) =	ssettm $0x7FFFFFFF  }
0xd3: {  	_ =	shalt  }
tec
execute0_lowered:
.L_overlay_start_1:
0x0: {  	(tag) =	ssettag $0x1  }
0x1: {  	s1 =	rddreg [dreg:$0x0]  }
0x2: {  	s6 =	rddreg [dreg:$0x1]  }
0x3: {  	s2 =	rddreg [dreg:$0x2]  }
0x4: {  	s0 =	rddreg [dreg:$0x3]  }
0x5: {  	s3 =	simm.s32 $0x0;
	s4 =	srdreg.scid;
	s13 =	simm.s32 $0x80  }
0x6: {  	s14 =	simm.s32 $0x1;
	[smem:$0x7FF] =	sst s3;
	s5 =	sand.u32 $0x1, s4  }
0x7: {  	s4 =	stileid.u32;
	_ =	strace $0x8000004A;
	s8 =	smul.u32 $0x27800, s5  }
0x8: {  	s7 =	sshll.u32 s5, $0xB;
	s9 =	ssub.s32 $0x2, s5;
	s11 =	smul.u32 $0x4F000, s4  }
0x9: {  	s5 =	sadd.s32 $0x1C200, s6;
	s30 =	sshll.u32 s4, $0x6;
	s31 =	sshll.u32 s4, $0xC  }
0xa: {  	s16 =	smul.u32 $0x2780, s4;
	s7 =	sadd.s32 s7, s6;
	s10 =	sshrl.u32 s9, $0x1  }
0xb: {  	s8 =	sadd.s32 s8, s6;
	s9 =	ssub.s32 s9, s10;
	s29 =	sshrl.u32 s11, $0x2  }
0xc: {  	s6 =	sor.u32 $0x1C02, s30;
	s7 =	sadd.s32 s31, s7;
	s10 =	simm.s32 $0x2  }
0xd: {  	s11 =	simm.s32 $0x4000;
	s12 =	sadd.s32 s29, s2;
	s7 =	sadd.s32 $0x2400, s7  }
0xe: {  	s15 =	sadd.s32 $0x6DA00, s8;
	s8 =	smax.u32 s9, $0x1;
	s9 =	sshrl.u32 s12, $0x3  }
0xf: {  	s12 =	simm.s32 $0x50;
	s15 =	sadd.s32 s16, s15;
	s16 =	simm.s32 $0x0  }
.LBB2_1:
0x10: {  	[spmem:s9], [sflag:s6] =	dma.local [hbm:s5], $0x2780  }
0x11: {  	_ =	swait.ge [sflag:s10], $0x2780  }
0x12: {  	[sflag:s10] =	ssyncset.done $0x0  }
0x13: {  	[sflag:s10] =	ssyncadd.s32 $0xFFFFD880  }
0x14: {  	[tilespmem:s11], [sflag:$0x2] =	stream.linear.gather [hbm4b:s1+s3], $0x2800, $0x38;
	[tilespmem:$0x1A400] =	vst v63  }
0x15: {  	_ =	swait.ge [sflag:s10], $0x2800  }
0x16: {  	[sflag:s10] =	ssyncset.done $0x0  }
0x17: {  	[sflag:s10] =	ssyncadd.s32 $0xFFFFD800  }
0x18: {  	[tilespmem:s3], [sflag:$0x2] =	stream.linear.gather [hbm4b:s7+s3], $0x3E80, $0x38;
	[tilespmem:$0x1A400] =	vst v63  }
0x19: {  	_ =	swait.ge [sflag:s10], $0x3E80  }
0x1a: {  	[sflag:s10] =	ssyncset.done $0x0  }
0x1b: {  	[sflag:s10] =	ssyncadd.s32 $0xFFFFC180  }
0x1c: {  	[bflag:$0x0] =	sbarrier.arrive $0xFFFF  }
0x1d: {  	[spmem:s2] =	stream.indirect.scatter.add.f32 [tilespmem:s11], [sflag:$0x1], $0x80, s3, s12, $0xb8;
	[tilespmem:$0x1A400] =	vst v63  }
0x1e: {  	_ = 	snop  }
0x1f: {  	[spmem:s2] =	stream.indirect.scatter.add.f32 [tilespmem:s11], [sflag:$0x1], $0x80, s13, s12, $0xb8;
	[tilespmem:$0x1A400] =	vst v63  }
0x20: {  	s17 =	simm.s32 $0x100  }
0x21: {  	[spmem:s2] =	stream.indirect.scatter.add.f32 [tilespmem:s11], [sflag:$0x1], $0x80, s17, s12, $0xb8;
	[tilespmem:$0x1A400] =	vst v63  }
0x22: {  	_ =	swait.ge [sflag:s14], $0x2800  }
0x23: {  	s17 =	simm.s32 $0x600;
	[sflag:s14] =	ssyncset.done $0x0  }
.LBB2_2:
0x24: {  	s18 =	sshra.s32 s17, $0x2;
	[sflag:s14] =	ssyncadd.s32 $0xFFFFD800;
	p0 =	sne.s32 s17, $0xF800  }
0x25: {  	[spmem:s2] =	stream.indirect.scatter.add.f32 [tilespmem:s11], [sflag:$0x1], $0x80, s18, s12, $0xb8;
	[tilespmem:$0x1A400] =	vst v63  }
.Ltmp0:
0x26: {  	_ = 	snop;
	(pc) =	sbr.rel @p0 .LBB2_2-.Ltmp0, $4  }
0x27: {  	_ = 	snop  }
0x28: {  	s17 =	sadd.s32 $0x200, s17  }
0x29: {  	_ =	swait.ge [sflag:s14], $0x2800  }
0x2a: {  	[sflag:s14] =	ssyncset.done $0x0  }
0x2b: {  	[sflag:s14] =	ssyncadd.s32 $0xFFFFD800  }
0x2c: {  	_ =	swait.ge [sflag:s14], $0x2800  }
0x2d: {  	[sflag:s14] =	ssyncset.done $0x0  }
0x2e: {  	[sflag:s14] =	ssyncadd.s32 $0xFFFFD800  }
0x2f: {  	_ =	swait.ge [sflag:s14], $0x2800  }
0x30: {  	s16 =	sadd.s32 $0x1, s16;
	[sflag:s14] =	ssyncset.done $0x0  }
0x31: {  	p0 =	sne.s32 s16, s8;
	[sflag:s14] =	ssyncadd.s32 $0xFFFFD800  }
.Ltmp1:
0x32: {  	[bflag:$0x0] =	sbarrier.arrive $0xFFFF;
	(pc) =	sbr.rel @p0 .LBB2_1-.Ltmp1, $4  }
0x33: {  	[hbm:s15], [sflag:s6] =	dma.local [spmem:s9], $0x2780  }
0x34: {  	_ =	swait.ge [sflag:s10], $0x2780  }
0x35: {  	[sflag:s10] =	ssyncset.done $0x0  }
0x36: {  	[sflag:s10] =	ssyncadd.s32 $0xFFFFD880  }
0x37: {  	_ =	sfence.sel $0x180000  }
0x38: {  	[bflag:$0x0] =	sbarrier.arrive $0xFFFF  }
0x39: {  	p0 =	sne.s32 s4, $0x0;
	_ =	strace $0x9000004A  }
0x3a: {  	s0 =	sadd.s32 @!p0 $0x100000, s0;
	[bflag:$0x2] =	sbarrier.arrive $0xFFFF  }
0x3b: {  	[sflag:s0] =	ssyncadd.tile.s32 @!p0 $0x1;
	_ =	shalt  }
.Lfunc_end2:
_tile_overlayer_lowered:
.L_overlay_start_2:
0x3c: {  	(tag) =	ssettag $0x2  }
0x3d: {  	s0 =	rddreg [dreg:$0x0];
	s2 =	stileid.u32  }
0x3e: {  	s1 =	rddreg [dreg:$0x1];
	p0 =	sne.s32 s2, $0x0  }
0x3f: {  	s3 =	rddreg [dreg:$0x2];
	[bflag:$0x3] =	sbarrier.arrive $0xFFFF;
	s2 =	simm.s32 @!p0 $0x1C02  }
0x40: {  	[timem:s3], [sflag:s2] =	dma.local @!p0 [hbm:s0], s1  }
0x41: {  	s0 =	simm.s32 @!p0 $0x2  }
0x42: {  	_ =	swait.ge @!p0 [sflag:s0], s1  }
0x43: {  	s1 =	ssub.s32 @!p0 $0x0, s1;
	[sflag:s0] =	ssyncset.done @!p0 $0x0  }
0x44: {  	[sflag:s0] =	ssyncadd.s32 @!p0 s1  }
0x45: {  	[bflag:$0x3] =	sbarrier.arrive $0xFFFF  }
0x46: {  	_ =	shalt  }

</sc_bundles>
